<compile_context>
chip_gen: v7x
topology: tpu7x:2x2x1
jax: 0.10.2.dev20260603
libtpu: 0.0.44.dev20260713+nightly
codegen_flags: <defaults>
</compile_context>

<pallas_src>
import functools
import math

import jax
import jax.numpy as jnp
from jax import lax
from jax.experimental import pallas as pl
from jax.experimental.pallas import tpu as pltpu
from jax.experimental.pallas import tpu_sc as plsc

D = 128
B = 4096
L = 200
BL = B * L

NC = 2
NS = 16
NW = NC * NS
PER_W = BL // NW
CHUNK = 128
NCHUNK = PER_W // CHUNK
NBUF = 4

_SCALE = math.sqrt(float(D))

_MESH = plsc.VectorSubcoreMesh(core_axis_name="c", subcore_axis_name="s")


@functools.partial(
    pl.kernel,
    mesh=_MESH,
    out_type=jax.ShapeDtypeStruct((BL, D), jnp.float32),
    scratch_types=[
        pltpu.VMEM((NCHUNK, CHUNK), jnp.int32),
        pltpu.VMEM((NBUF, CHUNK, D), jnp.float32),
    ]
    + [pltpu.SemaphoreType.DMA] * (2 * NBUF),
)
def _gather_kernel(idx_hbm, table_hbm, out_hbm, idx_v, rows_v, *sems):
    gsems = sems[:NBUF]
    osems = sems[NBUF:]
    wid = lax.axis_index("s") * NC + lax.axis_index("c")
    base = wid * PER_W

    pltpu.sync_copy(idx_hbm.at[pl.ds(wid * NCHUNK, NCHUNK)], idx_v)

    def gather_start(j, b):
        pltpu.async_copy(table_hbm.at[idx_v.at[j]], rows_v.at[b], gsems[b])

    def gather_wait(b):
        pltpu.make_async_copy(
            table_hbm.at[pl.ds(0, CHUNK)], rows_v.at[b], gsems[b]
        ).wait()

    def out_start(j, b):
        pltpu.async_copy(
            rows_v.at[b], out_hbm.at[pl.ds(base + j * CHUNK, CHUNK)], osems[b]
        )

    def out_wait(b):
        pltpu.make_async_copy(
            out_hbm.at[pl.ds(0, CHUNK)], rows_v.at[b], osems[b]
        ).wait()

    def scale_buf(b):
        def row_body(r, carry):
            for k in range(D // 16):
                sl = pl.ds(k * 16, 16)
                rows_v[b, r, sl] = rows_v[b, r, sl] * _SCALE
            return carry

        lax.fori_loop(0, CHUNK, row_body, 0)

    for b in range(NBUF):
        gather_start(b, b)

    nsteps = NCHUNK // NBUF

    def body(s, carry):
        for b in range(NBUF):
            j = s * NBUF + b
            gather_wait(b)
            scale_buf(b)
            out_start(j, b)

            @pl.when(s < nsteps - 1)
            def _():
                out_wait(b)
                gather_start(j + NBUF, b)

        return carry

    lax.fori_loop(0, nsteps, body, 0)

    for b in range(NBUF):
        out_wait(b)


def kernel(input_ids, word_em):
    idx = input_ids.reshape(BL).astype(jnp.int32).reshape(BL // CHUNK, CHUNK)
    out = _gather_kernel(idx, word_em)
    return out.reshape(B, L, D)

# --- scband reference (transcript-rebuilt; emitter-appended) ---
"""Pipeline reference for scband-embedding-24919400251490 (READ-ONLY COPY).

The authoritative reference and input builder live on the scoring server;
editing this copy changes nothing except your own understanding.
"""

import jax, jax.numpy as jnp
import numpy as np

VOCAB = 100000
DIM = 128
B = 4096
L = 200

def setup_inputs(seed: int = 0) -> dict:
    key = jax.random.key(seed)
    k1, k2 = jax.random.split(key)
    input_ids = jax.random.randint(k1, (B, L), 0, VOCAB, dtype=jnp.int64)
    word_em = jax.random.normal(k2, (VOCAB, DIM), dtype=jnp.float32)
    return {"input_ids": input_ids, "word_em": word_em}

def reference(input_ids, word_em):
    we = jnp.take(word_em, input_ids, axis=0)
    scale = jnp.sqrt(jnp.asarray(DIM, dtype=jnp.float32))
    return we * scale

if __name__ == "__main__":
    import jax
    _d = setup_inputs()
    print(jax.jit(kernel)(*tuple(_d.values())))

</pallas_src>

<mosaic_0001>
#map = affine_map<(d0, d1) -> (0, 0)>
module attributes {stable_mosaic.version = 14 : i64} {
  func.func @_gather_kernel(%arg0: i32, %arg1: i32, %arg2: memref<6400x128xi32, #tpu.memory_space<hbm>>, %arg3: memref<100000x128xf32, #tpu.memory_space<hbm>>, %arg4: memref<819200x128xf32, #tpu.memory_space<hbm>>, %arg5: memref<200x128xi32, #tpu.memory_space<vmem>>, %arg6: memref<4x128x128xf32, #tpu.memory_space<vmem>>, %arg7: memref<!tpu.dma_semaphore, #tpu.memory_space<semaphore_mem>>, %arg8: memref<!tpu.dma_semaphore, #tpu.memory_space<semaphore_mem>>, %arg9: memref<!tpu.dma_semaphore, #tpu.memory_space<semaphore_mem>>, %arg10: memref<!tpu.dma_semaphore, #tpu.memory_space<semaphore_mem>>, %arg11: memref<!tpu.dma_semaphore, #tpu.memory_space<semaphore_mem>>, %arg12: memref<!tpu.dma_semaphore, #tpu.memory_space<semaphore_mem>>, %arg13: memref<!tpu.dma_semaphore, #tpu.memory_space<semaphore_mem>>, %arg14: memref<!tpu.dma_semaphore, #tpu.memory_space<semaphore_mem>>) attributes {dimension_semantics = [#tpu.dimension_semantics<core_parallel>, #tpu.dimension_semantics<subcore_parallel>], iteration_bounds = array<i64: 2, 16>, scalar_prefetch = 0 : i64, scratch_operands = 10 : i64, tpu.core_type = #tpu.core_type<sc_vector_subcore>, window_params = [{transform_indices = #map}, {transform_indices = #map}, {transform_indices = #map}]} {
    %mul3A = arith.constant 2 : i32
    %mul3A_0 = arith.muli %arg1, %mul3A : i32
    %add3A = arith.addi %mul3A_0, %arg0 : i32
    %mul3A_1 = arith.constant 25600 : i32
    %mul3A_2 = arith.muli %add3A, %mul3A_1 : i32
    %mul3A_3 = arith.constant 200 : i32
    %mul3A_4 = arith.muli %add3A, %mul3A_3 : i32
    "tpu.region"() ({
      %run_scoped3A = tpu.sem_alloc : memref<!tpu.dma_semaphore, #tpu.memory_space<semaphore_mem>>
      %dma_start3A_116 = arith.constant 0 : i32
      %dma_start3A_117 = tpu.memref_slice %arg2[%mul3A_4, %dma_start3A_116] : memref<6400x128xi32, #tpu.memory_space<hbm>> -> memref<200x128xi32, #tpu.memory_space<hbm>>
      %dma_start3A_118 = arith.constant 0 : i32
      %dma_start3A_119 = tpu.memref_slice %arg2[%mul3A_4, %dma_start3A_118] : memref<6400x128xi32, #tpu.memory_space<hbm>> -> memref<200x128xi32, #tpu.memory_space<hbm>>
      tpu.enqueue_dma source(%dma_start3A_119 : memref<200x128xi32, #tpu.memory_space<hbm>>) target(%arg5 : memref<200x128xi32, #tpu.memory_space<vmem>>) target_semaphore(%run_scoped3A : memref<!tpu.dma_semaphore, #tpu.memory_space<semaphore_mem>>)
      %dma_wait3A_120 = arith.constant 0 : i32
      %dma_wait3A_121 = tpu.memref_slice %arg2[%mul3A_4, %dma_wait3A_120] : memref<6400x128xi32, #tpu.memory_space<hbm>> -> memref<200x128xi32, #tpu.memory_space<hbm>>
      %dma_wait3A_122 = arith.constant 0 : i32
      %dma_wait3A_123 = tpu.memref_slice %arg2[%mul3A_4, %dma_wait3A_122] : memref<6400x128xi32, #tpu.memory_space<hbm>> -> memref<200x128xi32, #tpu.memory_space<hbm>>
      tpu.wait_dma2 semaphore(%run_scoped3A : memref<!tpu.dma_semaphore, #tpu.memory_space<semaphore_mem>>) src(%dma_wait3A_123 : memref<200x128xi32, #tpu.memory_space<hbm>>) dst(%arg5 : memref<200x128xi32, #tpu.memory_space<vmem>>)
      tpu.yield
    }) : () -> ()
    %dma_start3A = arith.constant 0 : i32
    %dma_start3A_5 = arith.constant 0 : i32
    %dma_start3A_6 = arith.constant 0 : i32
    %dma_start3A_7 = arith.constant 0 : i32
    %dma_start3A_8 = tpu.memref_slice %arg6[%dma_start3A_5, %dma_start3A_6, %dma_start3A_7] : memref<4x128x128xf32, #tpu.memory_space<vmem>> -> memref<1x128x128xf32, #tpu.memory_space<vmem>>
    %dma_start3A_9 = tpu.memref_squeeze %dma_start3A_8 : memref<1x128x128xf32, #tpu.memory_space<vmem>> -> memref<128x128xf32, #tpu.memory_space<vmem>>
    %dma_start3A_10 = arith.constant 0 : i32
    %dma_start3A_11 = tpu.memref_slice %arg5[%dma_start3A, %dma_start3A_10] : memref<200x128xi32, #tpu.memory_space<vmem>> -> memref<1x128xi32, #tpu.memory_space<vmem>>
    %dma_start3A_12 = tpu.memref_squeeze %dma_start3A_11 : memref<1x128xi32, #tpu.memory_space<vmem>> -> memref<128xi32, #tpu.memory_space<vmem>>
    %dma_start3A_13 = arith.constant 0 : i32
    %dma_start3A_14 = arith.constant 0 : i32
    %dma_start3A_15 = tpu.memref_slice %arg3[%dma_start3A_13, %dma_start3A_14] : memref<100000x128xf32, #tpu.memory_space<hbm>> -> memref<100000x128xf32, #tpu.memory_space<hbm>>
    tpu.enqueue_indirect_dma source(%dma_start3A_15 : memref<100000x128xf32, #tpu.memory_space<hbm>>) target(%dma_start3A_9 : memref<128x128xf32, #tpu.memory_space<vmem>>) offsets(%dma_start3A_12 : memref<128xi32, #tpu.memory_space<vmem>>) semaphore(%arg7 : memref<!tpu.dma_semaphore, #tpu.memory_space<semaphore_mem>>)
    %dma_start3A_16 = arith.constant 1 : i32
    %dma_start3A_17 = arith.constant 1 : i32
    %dma_start3A_18 = arith.constant 0 : i32
    %dma_start3A_19 = arith.constant 0 : i32
    %dma_start3A_20 = tpu.memref_slice %arg6[%dma_start3A_17, %dma_start3A_18, %dma_start3A_19] : memref<4x128x128xf32, #tpu.memory_space<vmem>> -> memref<1x128x128xf32, #tpu.memory_space<vmem>>
    %dma_start3A_21 = tpu.memref_squeeze %dma_start3A_20 : memref<1x128x128xf32, #tpu.memory_space<vmem>> -> memref<128x128xf32, #tpu.memory_space<vmem>>
    %dma_start3A_22 = arith.constant 0 : i32
    %dma_start3A_23 = tpu.memref_slice %arg5[%dma_start3A_16, %dma_start3A_22] : memref<200x128xi32, #tpu.memory_space<vmem>> -> memref<1x128xi32, #tpu.memory_space<vmem>>
    %dma_start3A_24 = tpu.memref_squeeze %dma_start3A_23 : memref<1x128xi32, #tpu.memory_space<vmem>> -> memref<128xi32, #tpu.memory_space<vmem>>
    %dma_start3A_25 = arith.constant 0 : i32
    %dma_start3A_26 = arith.constant 0 : i32
    %dma_start3A_27 = tpu.memref_slice %arg3[%dma_start3A_25, %dma_start3A_26] : memref<100000x128xf32, #tpu.memory_space<hbm>> -> memref<100000x128xf32, #tpu.memory_space<hbm>>
    tpu.enqueue_indirect_dma source(%dma_start3A_27 : memref<100000x128xf32, #tpu.memory_space<hbm>>) target(%dma_start3A_21 : memref<128x128xf32, #tpu.memory_space<vmem>>) offsets(%dma_start3A_24 : memref<128xi32, #tpu.memory_space<vmem>>) semaphore(%arg8 : memref<!tpu.dma_semaphore, #tpu.memory_space<semaphore_mem>>)
    %dma_start3A_28 = arith.constant 2 : i32
    %dma_start3A_29 = arith.constant 2 : i32
    %dma_start3A_30 = arith.constant 0 : i32
    %dma_start3A_31 = arith.constant 0 : i32
    %dma_start3A_32 = tpu.memref_slice %arg6[%dma_start3A_29, %dma_start3A_30, %dma_start3A_31] : memref<4x128x128xf32, #tpu.memory_space<vmem>> -> memref<1x128x128xf32, #tpu.memory_space<vmem>>
    %dma_start3A_33 = tpu.memref_squeeze %dma_start3A_32 : memref<1x128x128xf32, #tpu.memory_space<vmem>> -> memref<128x128xf32, #tpu.memory_space<vmem>>
    %dma_start3A_34 = arith.constant 0 : i32
    %dma_start3A_35 = tpu.memref_slice %arg5[%dma_start3A_28, %dma_start3A_34] : memref<200x128xi32, #tpu.memory_space<vmem>> -> memref<1x128xi32, #tpu.memory_space<vmem>>
    %dma_start3A_36 = tpu.memref_squeeze %dma_start3A_35 : memref<1x128xi32, #tpu.memory_space<vmem>> -> memref<128xi32, #tpu.memory_space<vmem>>
    %dma_start3A_37 = arith.constant 0 : i32
    %dma_start3A_38 = arith.constant 0 : i32
    %dma_start3A_39 = tpu.memref_slice %arg3[%dma_start3A_37, %dma_start3A_38] : memref<100000x128xf32, #tpu.memory_space<hbm>> -> memref<100000x128xf32, #tpu.memory_space<hbm>>
    tpu.enqueue_indirect_dma source(%dma_start3A_39 : memref<100000x128xf32, #tpu.memory_space<hbm>>) target(%dma_start3A_33 : memref<128x128xf32, #tpu.memory_space<vmem>>) offsets(%dma_start3A_36 : memref<128xi32, #tpu.memory_space<vmem>>) semaphore(%arg9 : memref<!tpu.dma_semaphore, #tpu.memory_space<semaphore_mem>>)
    %dma_start3A_40 = arith.constant 3 : i32
    %dma_start3A_41 = arith.constant 3 : i32
    %dma_start3A_42 = arith.constant 0 : i32
    %dma_start3A_43 = arith.constant 0 : i32
    %dma_start3A_44 = tpu.memref_slice %arg6[%dma_start3A_41, %dma_start3A_42, %dma_start3A_43] : memref<4x128x128xf32, #tpu.memory_space<vmem>> -> memref<1x128x128xf32, #tpu.memory_space<vmem>>
    %dma_start3A_45 = tpu.memref_squeeze %dma_start3A_44 : memref<1x128x128xf32, #tpu.memory_space<vmem>> -> memref<128x128xf32, #tpu.memory_space<vmem>>
    %dma_start3A_46 = arith.constant 0 : i32
    %dma_start3A_47 = tpu.memref_slice %arg5[%dma_start3A_40, %dma_start3A_46] : memref<200x128xi32, #tpu.memory_space<vmem>> -> memref<1x128xi32, #tpu.memory_space<vmem>>
    %dma_start3A_48 = tpu.memref_squeeze %dma_start3A_47 : memref<1x128xi32, #tpu.memory_space<vmem>> -> memref<128xi32, #tpu.memory_space<vmem>>
    %dma_start3A_49 = arith.constant 0 : i32
    %dma_start3A_50 = arith.constant 0 : i32
    %dma_start3A_51 = tpu.memref_slice %arg3[%dma_start3A_49, %dma_start3A_50] : memref<100000x128xf32, #tpu.memory_space<hbm>> -> memref<100000x128xf32, #tpu.memory_space<hbm>>
    tpu.enqueue_indirect_dma source(%dma_start3A_51 : memref<100000x128xf32, #tpu.memory_space<hbm>>) target(%dma_start3A_45 : memref<128x128xf32, #tpu.memory_space<vmem>>) offsets(%dma_start3A_48 : memref<128xi32, #tpu.memory_space<vmem>>) semaphore(%arg10 : memref<!tpu.dma_semaphore, #tpu.memory_space<semaphore_mem>>)
    %scan3A = arith.constant 0 : i32
    %scan3A_52 = arith.constant 0 : i32
    %scan3A_53 = arith.constant 50 : i32
    %scan3A_54 = arith.addi %scan3A_52, %scan3A_53 : i32
    %scan3A_55 = arith.constant 1 : i32
    scf.for %scan3A_116 = %scan3A_52 to %scan3A_54 step %scan3A_55  : i32 {
      %mul3A_117 = arith.constant 4 : i32
      %mul3A_118 = arith.muli %scan3A_116, %mul3A_117 : i32
      %add3A_119 = arith.constant 0 : i32
      %add3A_120 = arith.addi %mul3A_118, %add3A_119 : i32
      %dma_wait3A_121 = arith.constant 0 : i32
      %dma_wait3A_122 = arith.constant 0 : i32
      %dma_wait3A_123 = arith.constant 0 : i32
      %dma_wait3A_124 = tpu.memref_slice %arg6[%dma_wait3A_121, %dma_wait3A_122, %dma_wait3A_123] : memref<4x128x128xf32, #tpu.memory_space<vmem>> -> memref<1x128x128xf32, #tpu.memory_space<vmem>>
      %dma_wait3A_125 = tpu.memref_squeeze %dma_wait3A_124 : memref<1x128x128xf32, #tpu.memory_space<vmem>> -> memref<128x128xf32, #tpu.memory_space<vmem>>
      %dma_wait3A_126 = arith.constant 0 : i32
      %dma_wait3A_127 = arith.constant 0 : i32
      %dma_wait3A_128 = tpu.memref_slice %arg3[%dma_wait3A_126, %dma_wait3A_127] : memref<100000x128xf32, #tpu.memory_space<hbm>> -> memref<128x128xf32, #tpu.memory_space<hbm>>
      %dma_wait3A_129 = arith.constant 0 : i32
      %dma_wait3A_130 = arith.constant 0 : i32
      %dma_wait3A_131 = tpu.memref_slice %arg6[%dma_wait3A_121, %dma_wait3A_129, %dma_wait3A_130] : memref<4x128x128xf32, #tpu.memory_space<vmem>> -> memref<1x128x128xf32, #tpu.memory_space<vmem>>
      %dma_wait3A_132 = tpu.memref_squeeze %dma_wait3A_131 : memref<1x128x128xf32, #tpu.memory_space<vmem>> -> memref<128x128xf32, #tpu.memory_space<vmem>>
      %dma_wait3A_133 = arith.constant 0 : i32
      %dma_wait3A_134 = arith.constant 0 : i32
      %dma_wait3A_135 = tpu.memref_slice %arg3[%dma_wait3A_133, %dma_wait3A_134] : memref<100000x128xf32, #tpu.memory_space<hbm>> -> memref<128x128xf32, #tpu.memory_space<hbm>>
      tpu.wait_dma2 semaphore(%arg7 : memref<!tpu.dma_semaphore, #tpu.memory_space<semaphore_mem>>) src(%dma_wait3A_135 : memref<128x128xf32, #tpu.memory_space<hbm>>) dst(%dma_wait3A_132 : memref<128x128xf32, #tpu.memory_space<vmem>>)
      %scan3A_136 = arith.constant 0 : i32
      %scan3A_137 = arith.constant 0 : i32
      %scan3A_138 = arith.constant 128 : i32
      %scan3A_139 = arith.addi %scan3A_137, %scan3A_138 : i32
      %scan3A_140 = arith.constant 1 : i32
      scf.for %scan3A_298 = %scan3A_137 to %scan3A_139 step %scan3A_140  : i32 {
        %get3A = arith.constant 0 : i32
        %get3A_299 = arith.index_cast %get3A : i32 to index
        %get3A_300 = arith.index_cast %scan3A_298 : i32 to index
        %get3A_301 = arith.constant 0 : index
        %get3A_302 = tpu.vector_load %arg6[%get3A_299, %get3A_300, %get3A_301] {strides = array<i32>} : memref<4x128x128xf32, #tpu.memory_space<vmem>>, vector<1x1x16xf32>,
        %get3A_303 = vector.shape_cast %get3A_302 : vector<1x1x16xf32> to vector<16xf32>
        %mul3A_304 = arith.constant 11.3137083 : f32
        %mul3A_305 = vector.broadcast %mul3A_304 : f32 to vector<16xf32>
        %mul3A_306 = arith.mulf %get3A_303, %mul3A_305 : vector<16xf32>
        %swap3A = arith.constant 0 : i32
        %swap3A_307 = arith.index_cast %swap3A : i32 to index
        %swap3A_308 = arith.index_cast %scan3A_298 : i32 to index
        %swap3A_309 = arith.constant 0 : index
        %swap3A_310 = tpu.vector_load %arg6[%swap3A_307, %swap3A_308, %swap3A_309] {strides = array<i32>} : memref<4x128x128xf32, #tpu.memory_space<vmem>>, vector<1x1x16xf32>,
        %swap3A_311 = vector.shape_cast %swap3A_310 : vector<1x1x16xf32> to vector<16xf32>
        %swap3A_312 = vector.shape_cast %mul3A_306 : vector<16xf32> to vector<1x1x16xf32>
        tpu.vector_store %arg6[%swap3A_307, %swap3A_308, %swap3A_309], %swap3A_312 {strides = array<i32>} : memref<4x128x128xf32, #tpu.memory_space<vmem>>, vector<1x1x16xf32>,
        %get3A_313 = arith.constant 0 : i32
        %get3A_314 = arith.index_cast %get3A_313 : i32 to index
        %get3A_315 = arith.index_cast %scan3A_298 : i32 to index
        %get3A_316 = arith.constant 16 : index
        %get3A_317 = tpu.vector_load %arg6[%get3A_314, %get3A_315, %get3A_316] {strides = array<i32>} : memref<4x128x128xf32, #tpu.memory_space<vmem>>, vector<1x1x16xf32>,
        %get3A_318 = vector.shape_cast %get3A_317 : vector<1x1x16xf32> to vector<16xf32>
        %mul3A_319 = arith.constant 11.3137083 : f32
        %mul3A_320 = vector.broadcast %mul3A_319 : f32 to vector<16xf32>
        %mul3A_321 = arith.mulf %get3A_318, %mul3A_320 : vector<16xf32>
        %swap3A_322 = arith.constant 0 : i32
        %swap3A_323 = arith.index_cast %swap3A_322 : i32 to index
        %swap3A_324 = arith.index_cast %scan3A_298 : i32 to index
        %swap3A_325 = arith.constant 16 : index
        %swap3A_326 = tpu.vector_load %arg6[%swap3A_323, %swap3A_324, %swap3A_325] {strides = array<i32>} : memref<4x128x128xf32, #tpu.memory_space<vmem>>, vector<1x1x16xf32>,
        %swap3A_327 = vector.shape_cast %swap3A_326 : vector<1x1x16xf32> to vector<16xf32>
        %swap3A_328 = vector.shape_cast %mul3A_321 : vector<16xf32> to vector<1x1x16xf32>
        tpu.vector_store %arg6[%swap3A_323, %swap3A_324, %swap3A_325], %swap3A_328 {strides = array<i32>} : memref<4x128x128xf32, #tpu.memory_space<vmem>>, vector<1x1x16xf32>,
        %get3A_329 = arith.constant 0 : i32
        %get3A_330 = arith.index_cast %get3A_329 : i32 to index
        %get3A_331 = arith.index_cast %scan3A_298 : i32 to index
        %get3A_332 = arith.constant 32 : index
        %get3A_333 = tpu.vector_load %arg6[%get3A_330, %get3A_331, %get3A_332] {strides = array<i32>} : memref<4x128x128xf32, #tpu.memory_space<vmem>>, vector<1x1x16xf32>,
        %get3A_334 = vector.shape_cast %get3A_333 : vector<1x1x16xf32> to vector<16xf32>
        %mul3A_335 = arith.constant 11.3137083 : f32
        %mul3A_336 = vector.broadcast %mul3A_335 : f32 to vector<16xf32>
        %mul3A_337 = arith.mulf %get3A_334, %mul3A_336 : vector<16xf32>
        %swap3A_338 = arith.constant 0 : i32
        %swap3A_339 = arith.index_cast %swap3A_338 : i32 to index
        %swap3A_340 = arith.index_cast %scan3A_298 : i32 to index
        %swap3A_341 = arith.constant 32 : index
        %swap3A_342 = tpu.vector_load %arg6[%swap3A_339, %swap3A_340, %swap3A_341] {strides = array<i32>} : memref<4x128x128xf32, #tpu.memory_space<vmem>>, vector<1x1x16xf32>,
        %swap3A_343 = vector.shape_cast %swap3A_342 : vector<1x1x16xf32> to vector<16xf32>
        %swap3A_344 = vector.shape_cast %mul3A_337 : vector<16xf32> to vector<1x1x16xf32>
        tpu.vector_store %arg6[%swap3A_339, %swap3A_340, %swap3A_341], %swap3A_344 {strides = array<i32>} : memref<4x128x128xf32, #tpu.memory_space<vmem>>, vector<1x1x16xf32>,
        %get3A_345 = arith.constant 0 : i32
        %get3A_346 = arith.index_cast %get3A_345 : i32 to index
        %get3A_347 = arith.index_cast %scan3A_298 : i32 to index
        %get3A_348 = arith.constant 48 : index
        %get3A_349 = tpu.vector_load %arg6[%get3A_346, %get3A_347, %get3A_348] {strides = array<i32>} : memref<4x128x128xf32, #tpu.memory_space<vmem>>, vector<1x1x16xf32>,
        %get3A_350 = vector.shape_cast %get3A_349 : vector<1x1x16xf32> to vector<16xf32>
        %mul3A_351 = arith.constant 11.3137083 : f32
        %mul3A_352 = vector.broadcast %mul3A_351 : f32 to vector<16xf32>
        %mul3A_353 = arith.mulf %get3A_350, %mul3A_352 : vector<16xf32>
        %swap3A_354 = arith.constant 0 : i32
        %swap3A_355 = arith.index_cast %swap3A_354 : i32 to index
        %swap3A_356 = arith.index_cast %scan3A_298 : i32 to index
        %swap3A_357 = arith.constant 48 : index
        %swap3A_358 = tpu.vector_load %arg6[%swap3A_355, %swap3A_356, %swap3A_357] {strides = array<i32>} : memref<4x128x128xf32, #tpu.memory_space<vmem>>, vector<1x1x16xf32>,
        %swap3A_359 = vector.shape_cast %swap3A_358 : vector<1x1x16xf32> to vector<16xf32>
        %swap3A_360 = vector.shape_cast %mul3A_353 : vector<16xf32> to vector<1x1x16xf32>
        tpu.vector_store %arg6[%swap3A_355, %swap3A_356, %swap3A_357], %swap3A_360 {strides = array<i32>} : memref<4x128x128xf32, #tpu.memory_space<vmem>>, vector<1x1x16xf32>,
        %get3A_361 = arith.constant 0 : i32
        %get3A_362 = arith.index_cast %get3A_361 : i32 to index
        %get3A_363 = arith.index_cast %scan3A_298 : i32 to index
        %get3A_364 = arith.constant 64 : index
        %get3A_365 = tpu.vector_load %arg6[%get3A_362, %get3A_363, %get3A_364] {strides = array<i32>} : memref<4x128x128xf32, #tpu.memory_space<vmem>>, vector<1x1x16xf32>,
        %get3A_366 = vector.shape_cast %get3A_365 : vector<1x1x16xf32> to vector<16xf32>
        %mul3A_367 = arith.constant 11.3137083 : f32
        %mul3A_368 = vector.broadcast %mul3A_367 : f32 to vector<16xf32>
        %mul3A_369 = arith.mulf %get3A_366, %mul3A_368 : vector<16xf32>
        %swap3A_370 = arith.constant 0 : i32
        %swap3A_371 = arith.index_cast %swap3A_370 : i32 to index
        %swap3A_372 = arith.index_cast %scan3A_298 : i32 to index
        %swap3A_373 = arith.constant 64 : index
        %swap3A_374 = tpu.vector_load %arg6[%swap3A_371, %swap3A_372, %swap3A_373] {strides = array<i32>} : memref<4x128x128xf32, #tpu.memory_space<vmem>>, vector<1x1x16xf32>,
        %swap3A_375 = vector.shape_cast %swap3A_374 : vector<1x1x16xf32> to vector<16xf32>
        %swap3A_376 = vector.shape_cast %mul3A_369 : vector<16xf32> to vector<1x1x16xf32>
        tpu.vector_store %arg6[%swap3A_371, %swap3A_372, %swap3A_373], %swap3A_376 {strides = array<i32>} : memref<4x128x128xf32, #tpu.memory_space<vmem>>, vector<1x1x16xf32>,
        %get3A_377 = arith.constant 0 : i32
        %get3A_378 = arith.index_cast %get3A_377 : i32 to index
        %get3A_379 = arith.index_cast %scan3A_298 : i32 to index
        %get3A_380 = arith.constant 80 : index
        %get3A_381 = tpu.vector_load %arg6[%get3A_378, %get3A_379, %get3A_380] {strides = array<i32>} : memref<4x128x128xf32, #tpu.memory_space<vmem>>, vector<1x1x16xf32>,
        %get3A_382 = vector.shape_cast %get3A_381 : vector<1x1x16xf32> to vector<16xf32>
        %mul3A_383 = arith.constant 11.3137083 : f32
        %mul3A_384 = vector.broadcast %mul3A_383 : f32 to vector<16xf32>
        %mul3A_385 = arith.mulf %get3A_382, %mul3A_384 : vector<16xf32>
        %swap3A_386 = arith.constant 0 : i32
        %swap3A_387 = arith.index_cast %swap3A_386 : i32 to index
        %swap3A_388 = arith.index_cast %scan3A_298 : i32 to index
        %swap3A_389 = arith.constant 80 : index
        %swap3A_390 = tpu.vector_load %arg6[%swap3A_387, %swap3A_388, %swap3A_389] {strides = array<i32>} : memref<4x128x128xf32, #tpu.memory_space<vmem>>, vector<1x1x16xf32>,
        %swap3A_391 = vector.shape_cast %swap3A_390 : vector<1x1x16xf32> to vector<16xf32>
        %swap3A_392 = vector.shape_cast %mul3A_385 : vector<16xf32> to vector<1x1x16xf32>
        tpu.vector_store %arg6[%swap3A_387, %swap3A_388, %swap3A_389], %swap3A_392 {strides = array<i32>} : memref<4x128x128xf32, #tpu.memory_space<vmem>>, vector<1x1x16xf32>,
        %get3A_393 = arith.constant 0 : i32
        %get3A_394 = arith.index_cast %get3A_393 : i32 to index
        %get3A_395 = arith.index_cast %scan3A_298 : i32 to index
        %get3A_396 = arith.constant 96 : index
        %get3A_397 = tpu.vector_load %arg6[%get3A_394, %get3A_395, %get3A_396] {strides = array<i32>} : memref<4x128x128xf32, #tpu.memory_space<vmem>>, vector<1x1x16xf32>,
        %get3A_398 = vector.shape_cast %get3A_397 : vector<1x1x16xf32> to vector<16xf32>
        %mul3A_399 = arith.constant 11.3137083 : f32
        %mul3A_400 = vector.broadcast %mul3A_399 : f32 to vector<16xf32>
        %mul3A_401 = arith.mulf %get3A_398, %mul3A_400 : vector<16xf32>
        %swap3A_402 = arith.constant 0 : i32
        %swap3A_403 = arith.index_cast %swap3A_402 : i32 to index
        %swap3A_404 = arith.index_cast %scan3A_298 : i32 to index
        %swap3A_405 = arith.constant 96 : index
        %swap3A_406 = tpu.vector_load %arg6[%swap3A_403, %swap3A_404, %swap3A_405] {strides = array<i32>} : memref<4x128x128xf32, #tpu.memory_space<vmem>>, vector<1x1x16xf32>,
        %swap3A_407 = vector.shape_cast %swap3A_406 : vector<1x1x16xf32> to vector<16xf32>
        %swap3A_408 = vector.shape_cast %mul3A_401 : vector<16xf32> to vector<1x1x16xf32>
        tpu.vector_store %arg6[%swap3A_403, %swap3A_404, %swap3A_405], %swap3A_408 {strides = array<i32>} : memref<4x128x128xf32, #tpu.memory_space<vmem>>, vector<1x1x16xf32>,
        %get3A_409 = arith.constant 0 : i32
        %get3A_410 = arith.index_cast %get3A_409 : i32 to index
        %get3A_411 = arith.index_cast %scan3A_298 : i32 to index
        %get3A_412 = arith.constant 112 : index
        %get3A_413 = tpu.vector_load %arg6[%get3A_410, %get3A_411, %get3A_412] {strides = array<i32>} : memref<4x128x128xf32, #tpu.memory_space<vmem>>, vector<1x1x16xf32>,
        %get3A_414 = vector.shape_cast %get3A_413 : vector<1x1x16xf32> to vector<16xf32>
        %mul3A_415 = arith.constant 11.3137083 : f32
        %mul3A_416 = vector.broadcast %mul3A_415 : f32 to vector<16xf32>
        %mul3A_417 = arith.mulf %get3A_414, %mul3A_416 : vector<16xf32>
        %swap3A_418 = arith.constant 0 : i32
        %swap3A_419 = arith.index_cast %swap3A_418 : i32 to index
        %swap3A_420 = arith.index_cast %scan3A_298 : i32 to index
        %swap3A_421 = arith.constant 112 : index
        %swap3A_422 = tpu.vector_load %arg6[%swap3A_419, %swap3A_420, %swap3A_421] {strides = array<i32>} : memref<4x128x128xf32, #tpu.memory_space<vmem>>, vector<1x1x16xf32>,
        %swap3A_423 = vector.shape_cast %swap3A_422 : vector<1x1x16xf32> to vector<16xf32>
        %swap3A_424 = vector.shape_cast %mul3A_417 : vector<16xf32> to vector<1x1x16xf32>
        tpu.vector_store %arg6[%swap3A_419, %swap3A_420, %swap3A_421], %swap3A_424 {strides = array<i32>} : memref<4x128x128xf32, #tpu.memory_space<vmem>>, vector<1x1x16xf32>,
      }
      %scan3A_141 = arith.constant 128 : i32
      %mul3A_142 = arith.constant 128 : i32
      %mul3A_143 = arith.muli %add3A_120, %mul3A_142 : i32
      %add3A_144 = arith.addi %mul3A_2, %mul3A_143 : i32
      %dma_start3A_145 = arith.constant 0 : i32
      %dma_start3A_146 = arith.constant 0 : i32
      %dma_start3A_147 = arith.constant 0 : i32
      %dma_start3A_148 = tpu.memref_slice %arg6[%dma_start3A_145, %dma_start3A_146, %dma_start3A_147] : memref<4x128x128xf32, #tpu.memory_space<vmem>> -> memref<1x128x128xf32, #tpu.memory_space<vmem>>
      %dma_start3A_149 = tpu.memref_squeeze %dma_start3A_148 : memref<1x128x128xf32, #tpu.memory_space<vmem>> -> memref<128x128xf32, #tpu.memory_space<vmem>>
      %dma_start3A_150 = arith.constant 0 : i32
      %dma_start3A_151 = tpu.memref_slice %arg4[%add3A_144, %dma_start3A_150] : memref<819200x128xf32, #tpu.memory_space<hbm>> -> memref<128x128xf32, #tpu.memory_space<hbm>>
      %dma_start3A_152 = arith.constant 0 : i32
      %dma_start3A_153 = tpu.memref_slice %arg4[%add3A_144, %dma_start3A_152] : memref<819200x128xf32, #tpu.memory_space<hbm>> -> memref<128x128xf32, #tpu.memory_space<hbm>>
      %dma_start3A_154 = arith.constant 0 : i32
      %dma_start3A_155 = arith.constant 0 : i32
      %dma_start3A_156 = tpu.memref_slice %arg6[%dma_start3A_145, %dma_start3A_154, %dma_start3A_155] : memref<4x128x128xf32, #tpu.memory_space<vmem>> -> memref<1x128x128xf32, #tpu.memory_space<vmem>>
      %dma_start3A_157 = tpu.memref_squeeze %dma_start3A_156 : memref<1x128x128xf32, #tpu.memory_space<vmem>> -> memref<128x128xf32, #tpu.memory_space<vmem>>
      tpu.enqueue_dma source(%dma_start3A_157 : memref<128x128xf32, #tpu.memory_space<vmem>>) target(%dma_start3A_153 : memref<128x128xf32, #tpu.memory_space<hbm>>) target_semaphore(%arg11 : memref<!tpu.dma_semaphore, #tpu.memory_space<semaphore_mem>>)
      %lt3A = arith.constant 49 : i32
      %lt3A_158 = arith.cmpi slt, %scan3A_116, %lt3A : i32
      %convert_element_type3A = arith.extui %lt3A_158 : i1 to i32
      %cond3A = arith.constant 0 : i32
      %cond3A_159 = arith.cmpi ne, %convert_element_type3A, %cond3A : i32
      scf.if %cond3A_159 {
        %dma_wait3A_298 = arith.constant 0 : i32
        %dma_wait3A_299 = arith.constant 0 : i32
        %dma_wait3A_300 = arith.constant 0 : i32
        %dma_wait3A_301 = tpu.memref_slice %arg6[%dma_wait3A_298, %dma_wait3A_299, %dma_wait3A_300] : memref<4x128x128xf32, #tpu.memory_space<vmem>> -> memref<1x128x128xf32, #tpu.memory_space<vmem>>
        %dma_wait3A_302 = tpu.memref_squeeze %dma_wait3A_301 : memref<1x128x128xf32, #tpu.memory_space<vmem>> -> memref<128x128xf32, #tpu.memory_space<vmem>>
        %dma_wait3A_303 = arith.constant 0 : i32
        %dma_wait3A_304 = arith.constant 0 : i32
        %dma_wait3A_305 = tpu.memref_slice %arg4[%dma_wait3A_303, %dma_wait3A_304] : memref<819200x128xf32, #tpu.memory_space<hbm>> -> memref<128x128xf32, #tpu.memory_space<hbm>>
        %dma_wait3A_306 = arith.constant 0 : i32
        %dma_wait3A_307 = arith.constant 0 : i32
        %dma_wait3A_308 = tpu.memref_slice %arg6[%dma_wait3A_298, %dma_wait3A_306, %dma_wait3A_307] : memref<4x128x128xf32, #tpu.memory_space<vmem>> -> memref<1x128x128xf32, #tpu.memory_space<vmem>>
        %dma_wait3A_309 = tpu.memref_squeeze %dma_wait3A_308 : memref<1x128x128xf32, #tpu.memory_space<vmem>> -> memref<128x128xf32, #tpu.memory_space<vmem>>
        %dma_wait3A_310 = arith.constant 0 : i32
        %dma_wait3A_311 = arith.constant 0 : i32
        %dma_wait3A_312 = tpu.memref_slice %arg4[%dma_wait3A_310, %dma_wait3A_311] : memref<819200x128xf32, #tpu.memory_space<hbm>> -> memref<128x128xf32, #tpu.memory_space<hbm>>
        tpu.wait_dma2 semaphore(%arg11 : memref<!tpu.dma_semaphore, #tpu.memory_space<semaphore_mem>>) src(%dma_wait3A_312 : memref<128x128xf32, #tpu.memory_space<hbm>>) dst(%dma_wait3A_309 : memref<128x128xf32, #tpu.memory_space<vmem>>)
        %add3A_313 = arith.constant 4 : i32
        %add3A_314 = arith.addi %add3A_120, %add3A_313 : i32
        %dma_start3A_315 = arith.constant 0 : i32
        %dma_start3A_316 = arith.constant 0 : i32
        %dma_start3A_317 = arith.constant 0 : i32
        %dma_start3A_318 = tpu.memref_slice %arg6[%dma_start3A_315, %dma_start3A_316, %dma_start3A_317] : memref<4x128x128xf32, #tpu.memory_space<vmem>> -> memref<1x128x128xf32, #tpu.memory_space<vmem>>
        %dma_start3A_319 = tpu.memref_squeeze %dma_start3A_318 : memref<1x128x128xf32, #tpu.memory_space<vmem>> -> memref<128x128xf32, #tpu.memory_space<vmem>>
        %dma_start3A_320 = arith.constant 0 : i32
        %dma_start3A_321 = tpu.memref_slice %arg5[%add3A_314, %dma_start3A_320] : memref<200x128xi32, #tpu.memory_space<vmem>> -> memref<1x128xi32, #tpu.memory_space<vmem>>
        %dma_start3A_322 = tpu.memref_squeeze %dma_start3A_321 : memref<1x128xi32, #tpu.memory_space<vmem>> -> memref<128xi32, #tpu.memory_space<vmem>>
        %dma_start3A_323 = arith.constant 0 : i32
        %dma_start3A_324 = arith.constant 0 : i32
        %dma_start3A_325 = tpu.memref_slice %arg3[%dma_start3A_323, %dma_start3A_324] : memref<100000x128xf32, #tpu.memory_space<hbm>> -> memref<100000x128xf32, #tpu.memory_space<hbm>>
        tpu.enqueue_indirect_dma source(%dma_start3A_325 : memref<100000x128xf32, #tpu.memory_space<hbm>>) target(%dma_start3A_319 : memref<128x128xf32, #tpu.memory_space<vmem>>) offsets(%dma_start3A_322 : memref<128xi32, #tpu.memory_space<vmem>>) semaphore(%arg7 : memref<!tpu.dma_semaphore, #tpu.memory_space<semaphore_mem>>)
      } else {
      }
      %mul3A_160 = arith.constant 4 : i32
      %mul3A_161 = arith.muli %scan3A_116, %mul3A_160 : i32
      %add3A_162 = arith.constant 1 : i32
      %add3A_163 = arith.addi %mul3A_161, %add3A_162 : i32
      %dma_wait3A_164 = arith.constant 1 : i32
      %dma_wait3A_165 = arith.constant 0 : i32
      %dma_wait3A_166 = arith.constant 0 : i32
      %dma_wait3A_167 = tpu.memref_slice %arg6[%dma_wait3A_164, %dma_wait3A_165, %dma_wait3A_166] : memref<4x128x128xf32, #tpu.memory_space<vmem>> -> memref<1x128x128xf32, #tpu.memory_space<vmem>>
      %dma_wait3A_168 = tpu.memref_squeeze %dma_wait3A_167 : memref<1x128x128xf32, #tpu.memory_space<vmem>> -> memref<128x128xf32, #tpu.memory_space<vmem>>
      %dma_wait3A_169 = arith.constant 0 : i32
      %dma_wait3A_170 = arith.constant 0 : i32
      %dma_wait3A_171 = tpu.memref_slice %arg3[%dma_wait3A_169, %dma_wait3A_170] : memref<100000x128xf32, #tpu.memory_space<hbm>> -> memref<128x128xf32, #tpu.memory_space<hbm>>
      %dma_wait3A_172 = arith.constant 0 : i32
      %dma_wait3A_173 = arith.constant 0 : i32
      %dma_wait3A_174 = tpu.memref_slice %arg6[%dma_wait3A_164, %dma_wait3A_172, %dma_wait3A_173] : memref<4x128x128xf32, #tpu.memory_space<vmem>> -> memref<1x128x128xf32, #tpu.memory_space<vmem>>
      %dma_wait3A_175 = tpu.memref_squeeze %dma_wait3A_174 : memref<1x128x128xf32, #tpu.memory_space<vmem>> -> memref<128x128xf32, #tpu.memory_space<vmem>>
      %dma_wait3A_176 = arith.constant 0 : i32
      %dma_wait3A_177 = arith.constant 0 : i32
      %dma_wait3A_178 = tpu.memref_slice %arg3[%dma_wait3A_176, %dma_wait3A_177] : memref<100000x128xf32, #tpu.memory_space<hbm>> -> memref<128x128xf32, #tpu.memory_space<hbm>>
      tpu.wait_dma2 semaphore(%arg8 : memref<!tpu.dma_semaphore, #tpu.memory_space<semaphore_mem>>) src(%dma_wait3A_178 : memref<128x128xf32, #tpu.memory_space<hbm>>) dst(%dma_wait3A_175 : memref<128x128xf32, #tpu.memory_space<vmem>>)
      %scan3A_179 = arith.constant 0 : i32
      %scan3A_180 = arith.constant 0 : i32
      %scan3A_181 = arith.constant 128 : i32
      %scan3A_182 = arith.addi %scan3A_180, %scan3A_181 : i32
      %scan3A_183 = arith.constant 1 : i32
      scf.for %scan3A_298 = %scan3A_180 to %scan3A_182 step %scan3A_183  : i32 {
        %get3A = arith.constant 1 : i32
        %get3A_299 = arith.index_cast %get3A : i32 to index
        %get3A_300 = arith.index_cast %scan3A_298 : i32 to index
        %get3A_301 = arith.constant 0 : index
        %get3A_302 = tpu.vector_load %arg6[%get3A_299, %get3A_300, %get3A_301] {strides = array<i32>} : memref<4x128x128xf32, #tpu.memory_space<vmem>>, vector<1x1x16xf32>,
        %get3A_303 = vector.shape_cast %get3A_302 : vector<1x1x16xf32> to vector<16xf32>
        %mul3A_304 = arith.constant 11.3137083 : f32
        %mul3A_305 = vector.broadcast %mul3A_304 : f32 to vector<16xf32>
        %mul3A_306 = arith.mulf %get3A_303, %mul3A_305 : vector<16xf32>
        %swap3A = arith.constant 1 : i32
        %swap3A_307 = arith.index_cast %swap3A : i32 to index
        %swap3A_308 = arith.index_cast %scan3A_298 : i32 to index
        %swap3A_309 = arith.constant 0 : index
        %swap3A_310 = tpu.vector_load %arg6[%swap3A_307, %swap3A_308, %swap3A_309] {strides = array<i32>} : memref<4x128x128xf32, #tpu.memory_space<vmem>>, vector<1x1x16xf32>,
        %swap3A_311 = vector.shape_cast %swap3A_310 : vector<1x1x16xf32> to vector<16xf32>
        %swap3A_312 = vector.shape_cast %mul3A_306 : vector<16xf32> to vector<1x1x16xf32>
        tpu.vector_store %arg6[%swap3A_307, %swap3A_308, %swap3A_309], %swap3A_312 {strides = array<i32>} : memref<4x128x128xf32, #tpu.memory_space<vmem>>, vector<1x1x16xf32>,
        %get3A_313 = arith.constant 1 : i32
        %get3A_314 = arith.index_cast %get3A_313 : i32 to index
        %get3A_315 = arith.index_cast %scan3A_298 : i32 to index
        %get3A_316 = arith.constant 16 : index
        %get3A_317 = tpu.vector_load %arg6[%get3A_314, %get3A_315, %get3A_316] {strides = array<i32>} : memref<4x128x128xf32, #tpu.memory_space<vmem>>, vector<1x1x16xf32>,
        %get3A_318 = vector.shape_cast %get3A_317 : vector<1x1x16xf32> to vector<16xf32>
        %mul3A_319 = arith.constant 11.3137083 : f32
        %mul3A_320 = vector.broadcast %mul3A_319 : f32 to vector<16xf32>
        %mul3A_321 = arith.mulf %get3A_318, %mul3A_320 : vector<16xf32>
        %swap3A_322 = arith.constant 1 : i32
        %swap3A_323 = arith.index_cast %swap3A_322 : i32 to index
        %swap3A_324 = arith.index_cast %scan3A_298 : i32 to index
        %swap3A_325 = arith.constant 16 : index
        %swap3A_326 = tpu.vector_load %arg6[%swap3A_323, %swap3A_324, %swap3A_325] {strides = array<i32>} : memref<4x128x128xf32, #tpu.memory_space<vmem>>, vector<1x1x16xf32>,
        %swap3A_327 = vector.shape_cast %swap3A_326 : vector<1x1x16xf32> to vector<16xf32>
        %swap3A_328 = vector.shape_cast %mul3A_321 : vector<16xf32> to vector<1x1x16xf32>
        tpu.vector_store %arg6[%swap3A_323, %swap3A_324, %swap3A_325], %swap3A_328 {strides = array<i32>} : memref<4x128x128xf32, #tpu.memory_space<vmem>>, vector<1x1x16xf32>,
        %get3A_329 = arith.constant 1 : i32
        %get3A_330 = arith.index_cast %get3A_329 : i32 to index
        %get3A_331 = arith.index_cast %scan3A_298 : i32 to index
        %get3A_332 = arith.constant 32 : index
        %get3A_333 = tpu.vector_load %arg6[%get3A_330, %get3A_331, %get3A_332] {strides = array<i32>} : memref<4x128x128xf32, #tpu.memory_space<vmem>>, vector<1x1x16xf32>,
        %get3A_334 = vector.shape_cast %get3A_333 : vector<1x1x16xf32> to vector<16xf32>
        %mul3A_335 = arith.constant 11.3137083 : f32
        %mul3A_336 = vector.broadcast %mul3A_335 : f32 to vector<16xf32>
        %mul3A_337 = arith.mulf %get3A_334, %mul3A_336 : vector<16xf32>
        %swap3A_338 = arith.constant 1 : i32
        %swap3A_339 = arith.index_cast %swap3A_338 : i32 to index
        %swap3A_340 = arith.index_cast %scan3A_298 : i32 to index
        %swap3A_341 = arith.constant 32 : index
        %swap3A_342 = tpu.vector_load %arg6[%swap3A_339, %swap3A_340, %swap3A_341] {strides = array<i32>} : memref<4x128x128xf32, #tpu.memory_space<vmem>>, vector<1x1x16xf32>,
        %swap3A_343 = vector.shape_cast %swap3A_342 : vector<1x1x16xf32> to vector<16xf32>
        %swap3A_344 = vector.shape_cast %mul3A_337 : vector<16xf32> to vector<1x1x16xf32>
        tpu.vector_store %arg6[%swap3A_339, %swap3A_340, %swap3A_341], %swap3A_344 {strides = array<i32>} : memref<4x128x128xf32, #tpu.memory_space<vmem>>, vector<1x1x16xf32>,
        %get3A_345 = arith.constant 1 : i32
        %get3A_346 = arith.index_cast %get3A_345 : i32 to index
        %get3A_347 = arith.index_cast %scan3A_298 : i32 to index
        %get3A_348 = arith.constant 48 : index
        %get3A_349 = tpu.vector_load %arg6[%get3A_346, %get3A_347, %get3A_348] {strides = array<i32>} : memref<4x128x128xf32, #tpu.memory_space<vmem>>, vector<1x1x16xf32>,
        %get3A_350 = vector.shape_cast %get3A_349 : vector<1x1x16xf32> to vector<16xf32>
        %mul3A_351 = arith.constant 11.3137083 : f32
        %mul3A_352 = vector.broadcast %mul3A_351 : f32 to vector<16xf32>
        %mul3A_353 = arith.mulf %get3A_350, %mul3A_352 : vector<16xf32>
        %swap3A_354 = arith.constant 1 : i32
        %swap3A_355 = arith.index_cast %swap3A_354 : i32 to index
        %swap3A_356 = arith.index_cast %scan3A_298 : i32 to index
        %swap3A_357 = arith.constant 48 : index
        %swap3A_358 = tpu.vector_load %arg6[%swap3A_355, %swap3A_356, %swap3A_357] {strides = array<i32>} : memref<4x128x128xf32, #tpu.memory_space<vmem>>, vector<1x1x16xf32>,
        %swap3A_359 = vector.shape_cast %swap3A_358 : vector<1x1x16xf32> to vector<16xf32>
        %swap3A_360 = vector.shape_cast %mul3A_353 : vector<16xf32> to vector<1x1x16xf32>
        tpu.vector_store %arg6[%swap3A_355, %swap3A_356, %swap3A_357], %swap3A_360 {strides = array<i32>} : memref<4x128x128xf32, #tpu.memory_space<vmem>>, vector<1x1x16xf32>,
        %get3A_361 = arith.constant 1 : i32
        %get3A_362 = arith.index_cast %get3A_361 : i32 to index
        %get3A_363 = arith.index_cast %scan3A_298 : i32 to index
        %get3A_364 = arith.constant 64 : index
        %get3A_365 = tpu.vector_load %arg6[%get3A_362, %get3A_363, %get3A_364] {strides = array<i32>} : memref<4x128x128xf32, #tpu.memory_space<vmem>>, vector<1x1x16xf32>,
        %get3A_366 = vector.shape_cast %get3A_365 : vector<1x1x16xf32> to vector<16xf32>
        %mul3A_367 = arith.constant 11.3137083 : f32
        %mul3A_368 = vector.broadcast %mul3A_367 : f32 to vector<16xf32>
        %mul3A_369 = arith.mulf %get3A_366, %mul3A_368 : vector<16xf32>
        %swap3A_370 = arith.constant 1 : i32
        %swap3A_371 = arith.index_cast %swap3A_370 : i32 to index
        %swap3A_372 = arith.index_cast %scan3A_298 : i32 to index
        %swap3A_373 = arith.constant 64 : index
        %swap3A_374 = tpu.vector_load %arg6[%swap3A_371, %swap3A_372, %swap3A_373] {strides = array<i32>} : memref<4x128x128xf32, #tpu.memory_space<vmem>>, vector<1x1x16xf32>,
        %swap3A_375 = vector.shape_cast %swap3A_374 : vector<1x1x16xf32> to vector<16xf32>
        %swap3A_376 = vector.shape_cast %mul3A_369 : vector<16xf32> to vector<1x1x16xf32>
        tpu.vector_store %arg6[%swap3A_371, %swap3A_372, %swap3A_373], %swap3A_376 {strides = array<i32>} : memref<4x128x128xf32, #tpu.memory_space<vmem>>, vector<1x1x16xf32>,
        %get3A_377 = arith.constant 1 : i32
        %get3A_378 = arith.index_cast %get3A_377 : i32 to index
        %get3A_379 = arith.index_cast %scan3A_298 : i32 to index
        %get3A_380 = arith.constant 80 : index
        %get3A_381 = tpu.vector_load %arg6[%get3A_378, %get3A_379, %get3A_380] {strides = array<i32>} : memref<4x128x128xf32, #tpu.memory_space<vmem>>, vector<1x1x16xf32>,
        %get3A_382 = vector.shape_cast %get3A_381 : vector<1x1x16xf32> to vector<16xf32>
        %mul3A_383 = arith.constant 11.3137083 : f32
        %mul3A_384 = vector.broadcast %mul3A_383 : f32 to vector<16xf32>
        %mul3A_385 = arith.mulf %get3A_382, %mul3A_384 : vector<16xf32>
        %swap3A_386 = arith.constant 1 : i32
        %swap3A_387 = arith.index_cast %swap3A_386 : i32 to index
        %swap3A_388 = arith.index_cast %scan3A_298 : i32 to index
        %swap3A_389 = arith.constant 80 : index
        %swap3A_390 = tpu.vector_load %arg6[%swap3A_387, %swap3A_388, %swap3A_389] {strides = array<i32>} : memref<4x128x128xf32, #tpu.memory_space<vmem>>, vector<1x1x16xf32>,
        %swap3A_391 = vector.shape_cast %swap3A_390 : vector<1x1x16xf32> to vector<16xf32>
        %swap3A_392 = vector.shape_cast %mul3A_385 : vector<16xf32> to vector<1x1x16xf32>
        tpu.vector_store %arg6[%swap3A_387, %swap3A_388, %swap3A_389], %swap3A_392 {strides = array<i32>} : memref<4x128x128xf32, #tpu.memory_space<vmem>>, vector<1x1x16xf32>,
        %get3A_393 = arith.constant 1 : i32
        %get3A_394 = arith.index_cast %get3A_393 : i32 to index
        %get3A_395 = arith.index_cast %scan3A_298 : i32 to index
        %get3A_396 = arith.constant 96 : index
        %get3A_397 = tpu.vector_load %arg6[%get3A_394, %get3A_395, %get3A_396] {strides = array<i32>} : memref<4x128x128xf32, #tpu.memory_space<vmem>>, vector<1x1x16xf32>,
        %get3A_398 = vector.shape_cast %get3A_397 : vector<1x1x16xf32> to vector<16xf32>
        %mul3A_399 = arith.constant 11.3137083 : f32
        %mul3A_400 = vector.broadcast %mul3A_399 : f32 to vector<16xf32>
        %mul3A_401 = arith.mulf %get3A_398, %mul3A_400 : vector<16xf32>
        %swap3A_402 = arith.constant 1 : i32
        %swap3A_403 = arith.index_cast %swap3A_402 : i32 to index
        %swap3A_404 = arith.index_cast %scan3A_298 : i32 to index
        %swap3A_405 = arith.constant 96 : index
        %swap3A_406 = tpu.vector_load %arg6[%swap3A_403, %swap3A_404, %swap3A_405] {strides = array<i32>} : memref<4x128x128xf32, #tpu.memory_space<vmem>>, vector<1x1x16xf32>,
        %swap3A_407 = vector.shape_cast %swap3A_406 : vector<1x1x16xf32> to vector<16xf32>
        %swap3A_408 = vector.shape_cast %mul3A_401 : vector<16xf32> to vector<1x1x16xf32>
        tpu.vector_store %arg6[%swap3A_403, %swap3A_404, %swap3A_405], %swap3A_408 {strides = array<i32>} : memref<4x128x128xf32, #tpu.memory_space<vmem>>, vector<1x1x16xf32>,
        %get3A_409 = arith.constant 1 : i32
        %get3A_410 = arith.index_cast %get3A_409 : i32 to index
        %get3A_411 = arith.index_cast %scan3A_298 : i32 to index
        %get3A_412 = arith.constant 112 : index
        %get3A_413 = tpu.vector_load %arg6[%get3A_410, %get3A_411, %get3A_412] {strides = array<i32>} : memref<4x128x128xf32, #tpu.memory_space<vmem>>, vector<1x1x16xf32>,
        %get3A_414 = vector.shape_cast %get3A_413 : vector<1x1x16xf32> to vector<16xf32>
        %mul3A_415 = arith.constant 11.3137083 : f32
        %mul3A_416 = vector.broadcast %mul3A_415 : f32 to vector<16xf32>
        %mul3A_417 = arith.mulf %get3A_414, %mul3A_416 : vector<16xf32>
        %swap3A_418 = arith.constant 1 : i32
        %swap3A_419 = arith.index_cast %swap3A_418 : i32 to index
        %swap3A_420 = arith.index_cast %scan3A_298 : i32 to index
        %swap3A_421 = arith.constant 112 : index
        %swap3A_422 = tpu.vector_load %arg6[%swap3A_419, %swap3A_420, %swap3A_421] {strides = array<i32>} : memref<4x128x128xf32, #tpu.memory_space<vmem>>, vector<1x1x16xf32>,
        %swap3A_423 = vector.shape_cast %swap3A_422 : vector<1x1x16xf32> to vector<16xf32>
        %swap3A_424 = vector.shape_cast %mul3A_417 : vector<16xf32> to vector<1x1x16xf32>
        tpu.vector_store %arg6[%swap3A_419, %swap3A_420, %swap3A_421], %swap3A_424 {strides = array<i32>} : memref<4x128x128xf32, #tpu.memory_space<vmem>>, vector<1x1x16xf32>,
      }
      %scan3A_184 = arith.constant 128 : i32
      %mul3A_185 = arith.constant 128 : i32
      %mul3A_186 = arith.muli %add3A_163, %mul3A_185 : i32
      %add3A_187 = arith.addi %mul3A_2, %mul3A_186 : i32
      %dma_start3A_188 = arith.constant 1 : i32
      %dma_start3A_189 = arith.constant 0 : i32
      %dma_start3A_190 = arith.constant 0 : i32
      %dma_start3A_191 = tpu.memref_slice %arg6[%dma_start3A_188, %dma_start3A_189, %dma_start3A_190] : memref<4x128x128xf32, #tpu.memory_space<vmem>> -> memref<1x128x128xf32, #tpu.memory_space<vmem>>
      %dma_start3A_192 = tpu.memref_squeeze %dma_start3A_191 : memref<1x128x128xf32, #tpu.memory_space<vmem>> -> memref<128x128xf32, #tpu.memory_space<vmem>>
      %dma_start3A_193 = arith.constant 0 : i32
      %dma_start3A_194 = tpu.memref_slice %arg4[%add3A_187, %dma_start3A_193] : memref<819200x128xf32, #tpu.memory_space<hbm>> -> memref<128x128xf32, #tpu.memory_space<hbm>>
      %dma_start3A_195 = arith.constant 0 : i32
      %dma_start3A_196 = tpu.memref_slice %arg4[%add3A_187, %dma_start3A_195] : memref<819200x128xf32, #tpu.memory_space<hbm>> -> memref<128x128xf32, #tpu.memory_space<hbm>>
      %dma_start3A_197 = arith.constant 0 : i32
      %dma_start3A_198 = arith.constant 0 : i32
      %dma_start3A_199 = tpu.memref_slice %arg6[%dma_start3A_188, %dma_start3A_197, %dma_start3A_198] : memref<4x128x128xf32, #tpu.memory_space<vmem>> -> memref<1x128x128xf32, #tpu.memory_space<vmem>>
      %dma_start3A_200 = tpu.memref_squeeze %dma_start3A_199 : memref<1x128x128xf32, #tpu.memory_space<vmem>> -> memref<128x128xf32, #tpu.memory_space<vmem>>
      tpu.enqueue_dma source(%dma_start3A_200 : memref<128x128xf32, #tpu.memory_space<vmem>>) target(%dma_start3A_196 : memref<128x128xf32, #tpu.memory_space<hbm>>) target_semaphore(%arg12 : memref<!tpu.dma_semaphore, #tpu.memory_space<semaphore_mem>>)
      %lt3A_201 = arith.constant 49 : i32
      %lt3A_202 = arith.cmpi slt, %scan3A_116, %lt3A_201 : i32
      %convert_element_type3A_203 = arith.extui %lt3A_202 : i1 to i32
      %cond3A_204 = arith.constant 0 : i32
      %cond3A_205 = arith.cmpi ne, %convert_element_type3A_203, %cond3A_204 : i32
      scf.if %cond3A_205 {
        %dma_wait3A_298 = arith.constant 1 : i32
        %dma_wait3A_299 = arith.constant 0 : i32
        %dma_wait3A_300 = arith.constant 0 : i32
        %dma_wait3A_301 = tpu.memref_slice %arg6[%dma_wait3A_298, %dma_wait3A_299, %dma_wait3A_300] : memref<4x128x128xf32, #tpu.memory_space<vmem>> -> memref<1x128x128xf32, #tpu.memory_space<vmem>>
        %dma_wait3A_302 = tpu.memref_squeeze %dma_wait3A_301 : memref<1x128x128xf32, #tpu.memory_space<vmem>> -> memref<128x128xf32, #tpu.memory_space<vmem>>
        %dma_wait3A_303 = arith.constant 0 : i32
        %dma_wait3A_304 = arith.constant 0 : i32
        %dma_wait3A_305 = tpu.memref_slice %arg4[%dma_wait3A_303, %dma_wait3A_304] : memref<819200x128xf32, #tpu.memory_space<hbm>> -> memref<128x128xf32, #tpu.memory_space<hbm>>
        %dma_wait3A_306 = arith.constant 0 : i32
        %dma_wait3A_307 = arith.constant 0 : i32
        %dma_wait3A_308 = tpu.memref_slice %arg6[%dma_wait3A_298, %dma_wait3A_306, %dma_wait3A_307] : memref<4x128x128xf32, #tpu.memory_space<vmem>> -> memref<1x128x128xf32, #tpu.memory_space<vmem>>
        %dma_wait3A_309 = tpu.memref_squeeze %dma_wait3A_308 : memref<1x128x128xf32, #tpu.memory_space<vmem>> -> memref<128x128xf32, #tpu.memory_space<vmem>>
        %dma_wait3A_310 = arith.constant 0 : i32
        %dma_wait3A_311 = arith.constant 0 : i32
        %dma_wait3A_312 = tpu.memref_slice %arg4[%dma_wait3A_310, %dma_wait3A_311] : memref<819200x128xf32, #tpu.memory_space<hbm>> -> memref<128x128xf32, #tpu.memory_space<hbm>>
        tpu.wait_dma2 semaphore(%arg12 : memref<!tpu.dma_semaphore, #tpu.memory_space<semaphore_mem>>) src(%dma_wait3A_312 : memref<128x128xf32, #tpu.memory_space<hbm>>) dst(%dma_wait3A_309 : memref<128x128xf32, #tpu.memory_space<vmem>>)
        %add3A_313 = arith.constant 4 : i32
        %add3A_314 = arith.addi %add3A_163, %add3A_313 : i32
        %dma_start3A_315 = arith.constant 1 : i32
        %dma_start3A_316 = arith.constant 0 : i32
        %dma_start3A_317 = arith.constant 0 : i32
        %dma_start3A_318 = tpu.memref_slice %arg6[%dma_start3A_315, %dma_start3A_316, %dma_start3A_317] : memref<4x128x128xf32, #tpu.memory_space<vmem>> -> memref<1x128x128xf32, #tpu.memory_space<vmem>>
        %dma_start3A_319 = tpu.memref_squeeze %dma_start3A_318 : memref<1x128x128xf32, #tpu.memory_space<vmem>> -> memref<128x128xf32, #tpu.memory_space<vmem>>
        %dma_start3A_320 = arith.constant 0 : i32
        %dma_start3A_321 = tpu.memref_slice %arg5[%add3A_314, %dma_start3A_320] : memref<200x128xi32, #tpu.memory_space<vmem>> -> memref<1x128xi32, #tpu.memory_space<vmem>>
        %dma_start3A_322 = tpu.memref_squeeze %dma_start3A_321 : memref<1x128xi32, #tpu.memory_space<vmem>> -> memref<128xi32, #tpu.memory_space<vmem>>
        %dma_start3A_323 = arith.constant 0 : i32
        %dma_start3A_324 = arith.constant 0 : i32
        %dma_start3A_325 = tpu.memref_slice %arg3[%dma_start3A_323, %dma_start3A_324] : memref<100000x128xf32, #tpu.memory_space<hbm>> -> memref<100000x128xf32, #tpu.memory_space<hbm>>
        tpu.enqueue_indirect_dma source(%dma_start3A_325 : memref<100000x128xf32, #tpu.memory_space<hbm>>) target(%dma_start3A_319 : memref<128x128xf32, #tpu.memory_space<vmem>>) offsets(%dma_start3A_322 : memref<128xi32, #tpu.memory_space<vmem>>) semaphore(%arg8 : memref<!tpu.dma_semaphore, #tpu.memory_space<semaphore_mem>>)
      } else {
      }
      %mul3A_206 = arith.constant 4 : i32
      %mul3A_207 = arith.muli %scan3A_116, %mul3A_206 : i32
      %add3A_208 = arith.constant 2 : i32
      %add3A_209 = arith.addi %mul3A_207, %add3A_208 : i32
      %dma_wait3A_210 = arith.constant 2 : i32
      %dma_wait3A_211 = arith.constant 0 : i32
      %dma_wait3A_212 = arith.constant 0 : i32
      %dma_wait3A_213 = tpu.memref_slice %arg6[%dma_wait3A_210, %dma_wait3A_211, %dma_wait3A_212] : memref<4x128x128xf32, #tpu.memory_space<vmem>> -> memref<1x128x128xf32, #tpu.memory_space<vmem>>
      %dma_wait3A_214 = tpu.memref_squeeze %dma_wait3A_213 : memref<1x128x128xf32, #tpu.memory_space<vmem>> -> memref<128x128xf32, #tpu.memory_space<vmem>>
      %dma_wait3A_215 = arith.constant 0 : i32
      %dma_wait3A_216 = arith.constant 0 : i32
      %dma_wait3A_217 = tpu.memref_slice %arg3[%dma_wait3A_215, %dma_wait3A_216] : memref<100000x128xf32, #tpu.memory_space<hbm>> -> memref<128x128xf32, #tpu.memory_space<hbm>>
      %dma_wait3A_218 = arith.constant 0 : i32
      %dma_wait3A_219 = arith.constant 0 : i32
      %dma_wait3A_220 = tpu.memref_slice %arg6[%dma_wait3A_210, %dma_wait3A_218, %dma_wait3A_219] : memref<4x128x128xf32, #tpu.memory_space<vmem>> -> memref<1x128x128xf32, #tpu.memory_space<vmem>>
      %dma_wait3A_221 = tpu.memref_squeeze %dma_wait3A_220 : memref<1x128x128xf32, #tpu.memory_space<vmem>> -> memref<128x128xf32, #tpu.memory_space<vmem>>
      %dma_wait3A_222 = arith.constant 0 : i32
      %dma_wait3A_223 = arith.constant 0 : i32
      %dma_wait3A_224 = tpu.memref_slice %arg3[%dma_wait3A_222, %dma_wait3A_223] : memref<100000x128xf32, #tpu.memory_space<hbm>> -> memref<128x128xf32, #tpu.memory_space<hbm>>
      tpu.wait_dma2 semaphore(%arg9 : memref<!tpu.dma_semaphore, #tpu.memory_space<semaphore_mem>>) src(%dma_wait3A_224 : memref<128x128xf32, #tpu.memory_space<hbm>>) dst(%dma_wait3A_221 : memref<128x128xf32, #tpu.memory_space<vmem>>)
      %scan3A_225 = arith.constant 0 : i32
      %scan3A_226 = arith.constant 0 : i32
      %scan3A_227 = arith.constant 128 : i32
      %scan3A_228 = arith.addi %scan3A_226, %scan3A_227 : i32
      %scan3A_229 = arith.constant 1 : i32
      scf.for %scan3A_298 = %scan3A_226 to %scan3A_228 step %scan3A_229  : i32 {
        %get3A = arith.constant 2 : i32
        %get3A_299 = arith.index_cast %get3A : i32 to index
        %get3A_300 = arith.index_cast %scan3A_298 : i32 to index
        %get3A_301 = arith.constant 0 : index
        %get3A_302 = tpu.vector_load %arg6[%get3A_299, %get3A_300, %get3A_301] {strides = array<i32>} : memref<4x128x128xf32, #tpu.memory_space<vmem>>, vector<1x1x16xf32>,
        %get3A_303 = vector.shape_cast %get3A_302 : vector<1x1x16xf32> to vector<16xf32>
        %mul3A_304 = arith.constant 11.3137083 : f32
        %mul3A_305 = vector.broadcast %mul3A_304 : f32 to vector<16xf32>
        %mul3A_306 = arith.mulf %get3A_303, %mul3A_305 : vector<16xf32>
        %swap3A = arith.constant 2 : i32
        %swap3A_307 = arith.index_cast %swap3A : i32 to index
        %swap3A_308 = arith.index_cast %scan3A_298 : i32 to index
        %swap3A_309 = arith.constant 0 : index
        %swap3A_310 = tpu.vector_load %arg6[%swap3A_307, %swap3A_308, %swap3A_309] {strides = array<i32>} : memref<4x128x128xf32, #tpu.memory_space<vmem>>, vector<1x1x16xf32>,
        %swap3A_311 = vector.shape_cast %swap3A_310 : vector<1x1x16xf32> to vector<16xf32>
        %swap3A_312 = vector.shape_cast %mul3A_306 : vector<16xf32> to vector<1x1x16xf32>
        tpu.vector_store %arg6[%swap3A_307, %swap3A_308, %swap3A_309], %swap3A_312 {strides = array<i32>} : memref<4x128x128xf32, #tpu.memory_space<vmem>>, vector<1x1x16xf32>,
        %get3A_313 = arith.constant 2 : i32
        %get3A_314 = arith.index_cast %get3A_313 : i32 to index
        %get3A_315 = arith.index_cast %scan3A_298 : i32 to index
        %get3A_316 = arith.constant 16 : index
        %get3A_317 = tpu.vector_load %arg6[%get3A_314, %get3A_315, %get3A_316] {strides = array<i32>} : memref<4x128x128xf32, #tpu.memory_space<vmem>>, vector<1x1x16xf32>,
        %get3A_318 = vector.shape_cast %get3A_317 : vector<1x1x16xf32> to vector<16xf32>
        %mul3A_319 = arith.constant 11.3137083 : f32
        %mul3A_320 = vector.broadcast %mul3A_319 : f32 to vector<16xf32>
        %mul3A_321 = arith.mulf %get3A_318, %mul3A_320 : vector<16xf32>
        %swap3A_322 = arith.constant 2 : i32
        %swap3A_323 = arith.index_cast %swap3A_322 : i32 to index
        %swap3A_324 = arith.index_cast %scan3A_298 : i32 to index
        %swap3A_325 = arith.constant 16 : index
        %swap3A_326 = tpu.vector_load %arg6[%swap3A_323, %swap3A_324, %swap3A_325] {strides = array<i32>} : memref<4x128x128xf32, #tpu.memory_space<vmem>>, vector<1x1x16xf32>,
        %swap3A_327 = vector.shape_cast %swap3A_326 : vector<1x1x16xf32> to vector<16xf32>
        %swap3A_328 = vector.shape_cast %mul3A_321 : vector<16xf32> to vector<1x1x16xf32>
        tpu.vector_store %arg6[%swap3A_323, %swap3A_324, %swap3A_325], %swap3A_328 {strides = array<i32>} : memref<4x128x128xf32, #tpu.memory_space<vmem>>, vector<1x1x16xf32>,
        %get3A_329 = arith.constant 2 : i32
        %get3A_330 = arith.index_cast %get3A_329 : i32 to index
        %get3A_331 = arith.index_cast %scan3A_298 : i32 to index
        %get3A_332 = arith.constant 32 : index
        %get3A_333 = tpu.vector_load %arg6[%get3A_330, %get3A_331, %get3A_332] {strides = array<i32>} : memref<4x128x128xf32, #tpu.memory_space<vmem>>, vector<1x1x16xf32>,
        %get3A_334 = vector.shape_cast %get3A_333 : vector<1x1x16xf32> to vector<16xf32>
        %mul3A_335 = arith.constant 11.3137083 : f32
        %mul3A_336 = vector.broadcast %mul3A_335 : f32 to vector<16xf32>
        %mul3A_337 = arith.mulf %get3A_334, %mul3A_336 : vector<16xf32>
        %swap3A_338 = arith.constant 2 : i32
        %swap3A_339 = arith.index_cast %swap3A_338 : i32 to index
        %swap3A_340 = arith.index_cast %scan3A_298 : i32 to index
        %swap3A_341 = arith.constant 32 : index
        %swap3A_342 = tpu.vector_load %arg6[%swap3A_339, %swap3A_340, %swap3A_341] {strides = array<i32>} : memref<4x128x128xf32, #tpu.memory_space<vmem>>, vector<1x1x16xf32>,
        %swap3A_343 = vector.shape_cast %swap3A_342 : vector<1x1x16xf32> to vector<16xf32>
        %swap3A_344 = vector.shape_cast %mul3A_337 : vector<16xf32> to vector<1x1x16xf32>
        tpu.vector_store %arg6[%swap3A_339, %swap3A_340, %swap3A_341], %swap3A_344 {strides = array<i32>} : memref<4x128x128xf32, #tpu.memory_space<vmem>>, vector<1x1x16xf32>,
        %get3A_345 = arith.constant 2 : i32
        %get3A_346 = arith.index_cast %get3A_345 : i32 to index
        %get3A_347 = arith.index_cast %scan3A_298 : i32 to index
        %get3A_348 = arith.constant 48 : index
        %get3A_349 = tpu.vector_load %arg6[%get3A_346, %get3A_347, %get3A_348] {strides = array<i32>} : memref<4x128x128xf32, #tpu.memory_space<vmem>>, vector<1x1x16xf32>,
        %get3A_350 = vector.shape_cast %get3A_349 : vector<1x1x16xf32> to vector<16xf32>
        %mul3A_351 = arith.constant 11.3137083 : f32
        %mul3A_352 = vector.broadcast %mul3A_351 : f32 to vector<16xf32>
        %mul3A_353 = arith.mulf %get3A_350, %mul3A_352 : vector<16xf32>
        %swap3A_354 = arith.constant 2 : i32
        %swap3A_355 = arith.index_cast %swap3A_354 : i32 to index
        %swap3A_356 = arith.index_cast %scan3A_298 : i32 to index
        %swap3A_357 = arith.constant 48 : index
        %swap3A_358 = tpu.vector_load %arg6[%swap3A_355, %swap3A_356, %swap3A_357] {strides = array<i32>} : memref<4x128x128xf32, #tpu.memory_space<vmem>>, vector<1x1x16xf32>,
        %swap3A_359 = vector.shape_cast %swap3A_358 : vector<1x1x16xf32> to vector<16xf32>
        %swap3A_360 = vector.shape_cast %mul3A_353 : vector<16xf32> to vector<1x1x16xf32>
        tpu.vector_store %arg6[%swap3A_355, %swap3A_356, %swap3A_357], %swap3A_360 {strides = array<i32>} : memref<4x128x128xf32, #tpu.memory_space<vmem>>, vector<1x1x16xf32>,
        %get3A_361 = arith.constant 2 : i32
        %get3A_362 = arith.index_cast %get3A_361 : i32 to index
        %get3A_363 = arith.index_cast %scan3A_298 : i32 to index
        %get3A_364 = arith.constant 64 : index
        %get3A_365 = tpu.vector_load %arg6[%get3A_362, %get3A_363, %get3A_364] {strides = array<i32>} : memref<4x128x128xf32, #tpu.memory_space<vmem>>, vector<1x1x16xf32>,
        %get3A_366 = vector.shape_cast %get3A_365 : vector<1x1x16xf32> to vector<16xf32>
        %mul3A_367 = arith.constant 11.3137083 : f32
        %mul3A_368 = vector.broadcast %mul3A_367 : f32 to vector<16xf32>
        %mul3A_369 = arith.mulf %get3A_366, %mul3A_368 : vector<16xf32>
        %swap3A_370 = arith.constant 2 : i32
        %swap3A_371 = arith.index_cast %swap3A_370 : i32 to index
        %swap3A_372 = arith.index_cast %scan3A_298 : i32 to index
        %swap3A_373 = arith.constant 64 : index
        %swap3A_374 = tpu.vector_load %arg6[%swap3A_371, %swap3A_372, %swap3A_373] {strides = array<i32>} : memref<4x128x128xf32, #tpu.memory_space<vmem>>, vector<1x1x16xf32>,
        %swap3A_375 = vector.shape_cast %swap3A_374 : vector<1x1x16xf32> to vector<16xf32>
        %swap3A_376 = vector.shape_cast %mul3A_369 : vector<16xf32> to vector<1x1x16xf32>
        tpu.vector_store %arg6[%swap3A_371, %swap3A_372, %swap3A_373], %swap3A_376 {strides = array<i32>} : memref<4x128x128xf32, #tpu.memory_space<vmem>>, vector<1x1x16xf32>,
        %get3A_377 = arith.constant 2 : i32
        %get3A_378 = arith.index_cast %get3A_377 : i32 to index
        %get3A_379 = arith.index_cast %scan3A_298 : i32 to index
        %get3A_380 = arith.constant 80 : index
        %get3A_381 = tpu.vector_load %arg6[%get3A_378, %get3A_379, %get3A_380] {strides = array<i32>} : memref<4x128x128xf32, #tpu.memory_space<vmem>>, vector<1x1x16xf32>,
        %get3A_382 = vector.shape_cast %get3A_381 : vector<1x1x16xf32> to vector<16xf32>
        %mul3A_383 = arith.constant 11.3137083 : f32
        %mul3A_384 = vector.broadcast %mul3A_383 : f32 to vector<16xf32>
        %mul3A_385 = arith.mulf %get3A_382, %mul3A_384 : vector<16xf32>
        %swap3A_386 = arith.constant 2 : i32
        %swap3A_387 = arith.index_cast %swap3A_386 : i32 to index
        %swap3A_388 = arith.index_cast %scan3A_298 : i32 to index
        %swap3A_389 = arith.constant 80 : index
        %swap3A_390 = tpu.vector_load %arg6[%swap3A_387, %swap3A_388, %swap3A_389] {strides = array<i32>} : memref<4x128x128xf32, #tpu.memory_space<vmem>>, vector<1x1x16xf32>,
        %swap3A_391 = vector.shape_cast %swap3A_390 : vector<1x1x16xf32> to vector<16xf32>
        %swap3A_392 = vector.shape_cast %mul3A_385 : vector<16xf32> to vector<1x1x16xf32>
        tpu.vector_store %arg6[%swap3A_387, %swap3A_388, %swap3A_389], %swap3A_392 {strides = array<i32>} : memref<4x128x128xf32, #tpu.memory_space<vmem>>, vector<1x1x16xf32>,
        %get3A_393 = arith.constant 2 : i32
        %get3A_394 = arith.index_cast %get3A_393 : i32 to index
        %get3A_395 = arith.index_cast %scan3A_298 : i32 to index
        %get3A_396 = arith.constant 96 : index
        %get3A_397 = tpu.vector_load %arg6[%get3A_394, %get3A_395, %get3A_396] {strides = array<i32>} : memref<4x128x128xf32, #tpu.memory_space<vmem>>, vector<1x1x16xf32>,
        %get3A_398 = vector.shape_cast %get3A_397 : vector<1x1x16xf32> to vector<16xf32>
        %mul3A_399 = arith.constant 11.3137083 : f32
        %mul3A_400 = vector.broadcast %mul3A_399 : f32 to vector<16xf32>
        %mul3A_401 = arith.mulf %get3A_398, %mul3A_400 : vector<16xf32>
        %swap3A_402 = arith.constant 2 : i32
        %swap3A_403 = arith.index_cast %swap3A_402 : i32 to index
        %swap3A_404 = arith.index_cast %scan3A_298 : i32 to index
        %swap3A_405 = arith.constant 96 : index
        %swap3A_406 = tpu.vector_load %arg6[%swap3A_403, %swap3A_404, %swap3A_405] {strides = array<i32>} : memref<4x128x128xf32, #tpu.memory_space<vmem>>, vector<1x1x16xf32>,
        %swap3A_407 = vector.shape_cast %swap3A_406 : vector<1x1x16xf32> to vector<16xf32>
        %swap3A_408 = vector.shape_cast %mul3A_401 : vector<16xf32> to vector<1x1x16xf32>
        tpu.vector_store %arg6[%swap3A_403, %swap3A_404, %swap3A_405], %swap3A_408 {strides = array<i32>} : memref<4x128x128xf32, #tpu.memory_space<vmem>>, vector<1x1x16xf32>,
        %get3A_409 = arith.constant 2 : i32
        %get3A_410 = arith.index_cast %get3A_409 : i32 to index
        %get3A_411 = arith.index_cast %scan3A_298 : i32 to index
        %get3A_412 = arith.constant 112 : index
        %get3A_413 = tpu.vector_load %arg6[%get3A_410, %get3A_411, %get3A_412] {strides = array<i32>} : memref<4x128x128xf32, #tpu.memory_space<vmem>>, vector<1x1x16xf32>,
        %get3A_414 = vector.shape_cast %get3A_413 : vector<1x1x16xf32> to vector<16xf32>
        %mul3A_415 = arith.constant 11.3137083 : f32
        %mul3A_416 = vector.broadcast %mul3A_415 : f32 to vector<16xf32>
        %mul3A_417 = arith.mulf %get3A_414, %mul3A_416 : vector<16xf32>
        %swap3A_418 = arith.constant 2 : i32
        %swap3A_419 = arith.index_cast %swap3A_418 : i32 to index
        %swap3A_420 = arith.index_cast %scan3A_298 : i32 to index
        %swap3A_421 = arith.constant 112 : index
        %swap3A_422 = tpu.vector_load %arg6[%swap3A_419, %swap3A_420, %swap3A_421] {strides = array<i32>} : memref<4x128x128xf32, #tpu.memory_space<vmem>>, vector<1x1x16xf32>,
        %swap3A_423 = vector.shape_cast %swap3A_422 : vector<1x1x16xf32> to vector<16xf32>
        %swap3A_424 = vector.shape_cast %mul3A_417 : vector<16xf32> to vector<1x1x16xf32>
        tpu.vector_store %arg6[%swap3A_419, %swap3A_420, %swap3A_421], %swap3A_424 {strides = array<i32>} : memref<4x128x128xf32, #tpu.memory_space<vmem>>, vector<1x1x16xf32>,
      }
      %scan3A_230 = arith.constant 128 : i32
      %mul3A_231 = arith.constant 128 : i32
      %mul3A_232 = arith.muli %add3A_209, %mul3A_231 : i32
      %add3A_233 = arith.addi %mul3A_2, %mul3A_232 : i32
      %dma_start3A_234 = arith.constant 2 : i32
      %dma_start3A_235 = arith.constant 0 : i32
      %dma_start3A_236 = arith.constant 0 : i32
      %dma_start3A_237 = tpu.memref_slice %arg6[%dma_start3A_234, %dma_start3A_235, %dma_start3A_236] : memref<4x128x128xf32, #tpu.memory_space<vmem>> -> memref<1x128x128xf32, #tpu.memory_space<vmem>>
      %dma_start3A_238 = tpu.memref_squeeze %dma_start3A_237 : memref<1x128x128xf32, #tpu.memory_space<vmem>> -> memref<128x128xf32, #tpu.memory_space<vmem>>
      %dma_start3A_239 = arith.constant 0 : i32
      %dma_start3A_240 = tpu.memref_slice %arg4[%add3A_233, %dma_start3A_239] : memref<819200x128xf32, #tpu.memory_space<hbm>> -> memref<128x128xf32, #tpu.memory_space<hbm>>
      %dma_start3A_241 = arith.constant 0 : i32
      %dma_start3A_242 = tpu.memref_slice %arg4[%add3A_233, %dma_start3A_241] : memref<819200x128xf32, #tpu.memory_space<hbm>> -> memref<128x128xf32, #tpu.memory_space<hbm>>
      %dma_start3A_243 = arith.constant 0 : i32
      %dma_start3A_244 = arith.constant 0 : i32
      %dma_start3A_245 = tpu.memref_slice %arg6[%dma_start3A_234, %dma_start3A_243, %dma_start3A_244] : memref<4x128x128xf32, #tpu.memory_space<vmem>> -> memref<1x128x128xf32, #tpu.memory_space<vmem>>
      %dma_start3A_246 = tpu.memref_squeeze %dma_start3A_245 : memref<1x128x128xf32, #tpu.memory_space<vmem>> -> memref<128x128xf32, #tpu.memory_space<vmem>>
      tpu.enqueue_dma source(%dma_start3A_246 : memref<128x128xf32, #tpu.memory_space<vmem>>) target(%dma_start3A_242 : memref<128x128xf32, #tpu.memory_space<hbm>>) target_semaphore(%arg13 : memref<!tpu.dma_semaphore, #tpu.memory_space<semaphore_mem>>)
      %lt3A_247 = arith.constant 49 : i32
      %lt3A_248 = arith.cmpi slt, %scan3A_116, %lt3A_247 : i32
      %convert_element_type3A_249 = arith.extui %lt3A_248 : i1 to i32
      %cond3A_250 = arith.constant 0 : i32
      %cond3A_251 = arith.cmpi ne, %convert_element_type3A_249, %cond3A_250 : i32
      scf.if %cond3A_251 {
        %dma_wait3A_298 = arith.constant 2 : i32
        %dma_wait3A_299 = arith.constant 0 : i32
        %dma_wait3A_300 = arith.constant 0 : i32
        %dma_wait3A_301 = tpu.memref_slice %arg6[%dma_wait3A_298, %dma_wait3A_299, %dma_wait3A_300] : memref<4x128x128xf32, #tpu.memory_space<vmem>> -> memref<1x128x128xf32, #tpu.memory_space<vmem>>
        %dma_wait3A_302 = tpu.memref_squeeze %dma_wait3A_301 : memref<1x128x128xf32, #tpu.memory_space<vmem>> -> memref<128x128xf32, #tpu.memory_space<vmem>>
        %dma_wait3A_303 = arith.constant 0 : i32
        %dma_wait3A_304 = arith.constant 0 : i32
        %dma_wait3A_305 = tpu.memref_slice %arg4[%dma_wait3A_303, %dma_wait3A_304] : memref<819200x128xf32, #tpu.memory_space<hbm>> -> memref<128x128xf32, #tpu.memory_space<hbm>>
        %dma_wait3A_306 = arith.constant 0 : i32
        %dma_wait3A_307 = arith.constant 0 : i32
        %dma_wait3A_308 = tpu.memref_slice %arg6[%dma_wait3A_298, %dma_wait3A_306, %dma_wait3A_307] : memref<4x128x128xf32, #tpu.memory_space<vmem>> -> memref<1x128x128xf32, #tpu.memory_space<vmem>>
        %dma_wait3A_309 = tpu.memref_squeeze %dma_wait3A_308 : memref<1x128x128xf32, #tpu.memory_space<vmem>> -> memref<128x128xf32, #tpu.memory_space<vmem>>
        %dma_wait3A_310 = arith.constant 0 : i32
        %dma_wait3A_311 = arith.constant 0 : i32
        %dma_wait3A_312 = tpu.memref_slice %arg4[%dma_wait3A_310, %dma_wait3A_311] : memref<819200x128xf32, #tpu.memory_space<hbm>> -> memref<128x128xf32, #tpu.memory_space<hbm>>
        tpu.wait_dma2 semaphore(%arg13 : memref<!tpu.dma_semaphore, #tpu.memory_space<semaphore_mem>>) src(%dma_wait3A_312 : memref<128x128xf32, #tpu.memory_space<hbm>>) dst(%dma_wait3A_309 : memref<128x128xf32, #tpu.memory_space<vmem>>)
        %add3A_313 = arith.constant 4 : i32
        %add3A_314 = arith.addi %add3A_209, %add3A_313 : i32
        %dma_start3A_315 = arith.constant 2 : i32
        %dma_start3A_316 = arith.constant 0 : i32
        %dma_start3A_317 = arith.constant 0 : i32
        %dma_start3A_318 = tpu.memref_slice %arg6[%dma_start3A_315, %dma_start3A_316, %dma_start3A_317] : memref<4x128x128xf32, #tpu.memory_space<vmem>> -> memref<1x128x128xf32, #tpu.memory_space<vmem>>
        %dma_start3A_319 = tpu.memref_squeeze %dma_start3A_318 : memref<1x128x128xf32, #tpu.memory_space<vmem>> -> memref<128x128xf32, #tpu.memory_space<vmem>>
        %dma_start3A_320 = arith.constant 0 : i32
        %dma_start3A_321 = tpu.memref_slice %arg5[%add3A_314, %dma_start3A_320] : memref<200x128xi32, #tpu.memory_space<vmem>> -> memref<1x128xi32, #tpu.memory_space<vmem>>
        %dma_start3A_322 = tpu.memref_squeeze %dma_start3A_321 : memref<1x128xi32, #tpu.memory_space<vmem>> -> memref<128xi32, #tpu.memory_space<vmem>>
        %dma_start3A_323 = arith.constant 0 : i32
        %dma_start3A_324 = arith.constant 0 : i32
        %dma_start3A_325 = tpu.memref_slice %arg3[%dma_start3A_323, %dma_start3A_324] : memref<100000x128xf32, #tpu.memory_space<hbm>> -> memref<100000x128xf32, #tpu.memory_space<hbm>>
        tpu.enqueue_indirect_dma source(%dma_start3A_325 : memref<100000x128xf32, #tpu.memory_space<hbm>>) target(%dma_start3A_319 : memref<128x128xf32, #tpu.memory_space<vmem>>) offsets(%dma_start3A_322 : memref<128xi32, #tpu.memory_space<vmem>>) semaphore(%arg9 : memref<!tpu.dma_semaphore, #tpu.memory_space<semaphore_mem>>)
      } else {
      }
      %mul3A_252 = arith.constant 4 : i32
      %mul3A_253 = arith.muli %scan3A_116, %mul3A_252 : i32
      %add3A_254 = arith.constant 3 : i32
      %add3A_255 = arith.addi %mul3A_253, %add3A_254 : i32
      %dma_wait3A_256 = arith.constant 3 : i32
      %dma_wait3A_257 = arith.constant 0 : i32
      %dma_wait3A_258 = arith.constant 0 : i32
      %dma_wait3A_259 = tpu.memref_slice %arg6[%dma_wait3A_256, %dma_wait3A_257, %dma_wait3A_258] : memref<4x128x128xf32, #tpu.memory_space<vmem>> -> memref<1x128x128xf32, #tpu.memory_space<vmem>>
      %dma_wait3A_260 = tpu.memref_squeeze %dma_wait3A_259 : memref<1x128x128xf32, #tpu.memory_space<vmem>> -> memref<128x128xf32, #tpu.memory_space<vmem>>
      %dma_wait3A_261 = arith.constant 0 : i32
      %dma_wait3A_262 = arith.constant 0 : i32
      %dma_wait3A_263 = tpu.memref_slice %arg3[%dma_wait3A_261, %dma_wait3A_262] : memref<100000x128xf32, #tpu.memory_space<hbm>> -> memref<128x128xf32, #tpu.memory_space<hbm>>
      %dma_wait3A_264 = arith.constant 0 : i32
      %dma_wait3A_265 = arith.constant 0 : i32
      %dma_wait3A_266 = tpu.memref_slice %arg6[%dma_wait3A_256, %dma_wait3A_264, %dma_wait3A_265] : memref<4x128x128xf32, #tpu.memory_space<vmem>> -> memref<1x128x128xf32, #tpu.memory_space<vmem>>
      %dma_wait3A_267 = tpu.memref_squeeze %dma_wait3A_266 : memref<1x128x128xf32, #tpu.memory_space<vmem>> -> memref<128x128xf32, #tpu.memory_space<vmem>>
      %dma_wait3A_268 = arith.constant 0 : i32
      %dma_wait3A_269 = arith.constant 0 : i32
      %dma_wait3A_270 = tpu.memref_slice %arg3[%dma_wait3A_268, %dma_wait3A_269] : memref<100000x128xf32, #tpu.memory_space<hbm>> -> memref<128x128xf32, #tpu.memory_space<hbm>>
      tpu.wait_dma2 semaphore(%arg10 : memref<!tpu.dma_semaphore, #tpu.memory_space<semaphore_mem>>) src(%dma_wait3A_270 : memref<128x128xf32, #tpu.memory_space<hbm>>) dst(%dma_wait3A_267 : memref<128x128xf32, #tpu.memory_space<vmem>>)
      %scan3A_271 = arith.constant 0 : i32
      %scan3A_272 = arith.constant 0 : i32
      %scan3A_273 = arith.constant 128 : i32
      %scan3A_274 = arith.addi %scan3A_272, %scan3A_273 : i32
      %scan3A_275 = arith.constant 1 : i32
      scf.for %scan3A_298 = %scan3A_272 to %scan3A_274 step %scan3A_275  : i32 {
        %get3A = arith.constant 3 : i32
        %get3A_299 = arith.index_cast %get3A : i32 to index
        %get3A_300 = arith.index_cast %scan3A_298 : i32 to index
        %get3A_301 = arith.constant 0 : index
        %get3A_302 = tpu.vector_load %arg6[%get3A_299, %get3A_300, %get3A_301] {strides = array<i32>} : memref<4x128x128xf32, #tpu.memory_space<vmem>>, vector<1x1x16xf32>,
        %get3A_303 = vector.shape_cast %get3A_302 : vector<1x1x16xf32> to vector<16xf32>
        %mul3A_304 = arith.constant 11.3137083 : f32
        %mul3A_305 = vector.broadcast %mul3A_304 : f32 to vector<16xf32>
        %mul3A_306 = arith.mulf %get3A_303, %mul3A_305 : vector<16xf32>
        %swap3A = arith.constant 3 : i32
        %swap3A_307 = arith.index_cast %swap3A : i32 to index
        %swap3A_308 = arith.index_cast %scan3A_298 : i32 to index
        %swap3A_309 = arith.constant 0 : index
        %swap3A_310 = tpu.vector_load %arg6[%swap3A_307, %swap3A_308, %swap3A_309] {strides = array<i32>} : memref<4x128x128xf32, #tpu.memory_space<vmem>>, vector<1x1x16xf32>,
        %swap3A_311 = vector.shape_cast %swap3A_310 : vector<1x1x16xf32> to vector<16xf32>
        %swap3A_312 = vector.shape_cast %mul3A_306 : vector<16xf32> to vector<1x1x16xf32>
        tpu.vector_store %arg6[%swap3A_307, %swap3A_308, %swap3A_309], %swap3A_312 {strides = array<i32>} : memref<4x128x128xf32, #tpu.memory_space<vmem>>, vector<1x1x16xf32>,
        %get3A_313 = arith.constant 3 : i32
        %get3A_314 = arith.index_cast %get3A_313 : i32 to index
        %get3A_315 = arith.index_cast %scan3A_298 : i32 to index
        %get3A_316 = arith.constant 16 : index
        %get3A_317 = tpu.vector_load %arg6[%get3A_314, %get3A_315, %get3A_316] {strides = array<i32>} : memref<4x128x128xf32, #tpu.memory_space<vmem>>, vector<1x1x16xf32>,
        %get3A_318 = vector.shape_cast %get3A_317 : vector<1x1x16xf32> to vector<16xf32>
        %mul3A_319 = arith.constant 11.3137083 : f32
        %mul3A_320 = vector.broadcast %mul3A_319 : f32 to vector<16xf32>
        %mul3A_321 = arith.mulf %get3A_318, %mul3A_320 : vector<16xf32>
        %swap3A_322 = arith.constant 3 : i32
        %swap3A_323 = arith.index_cast %swap3A_322 : i32 to index
        %swap3A_324 = arith.index_cast %scan3A_298 : i32 to index
        %swap3A_325 = arith.constant 16 : index
        %swap3A_326 = tpu.vector_load %arg6[%swap3A_323, %swap3A_324, %swap3A_325] {strides = array<i32>} : memref<4x128x128xf32, #tpu.memory_space<vmem>>, vector<1x1x16xf32>,
        %swap3A_327 = vector.shape_cast %swap3A_326 : vector<1x1x16xf32> to vector<16xf32>
        %swap3A_328 = vector.shape_cast %mul3A_321 : vector<16xf32> to vector<1x1x16xf32>
        tpu.vector_store %arg6[%swap3A_323, %swap3A_324, %swap3A_325], %swap3A_328 {strides = array<i32>} : memref<4x128x128xf32, #tpu.memory_space<vmem>>, vector<1x1x16xf32>,
        %get3A_329 = arith.constant 3 : i32
        %get3A_330 = arith.index_cast %get3A_329 : i32 to index
        %get3A_331 = arith.index_cast %scan3A_298 : i32 to index
        %get3A_332 = arith.constant 32 : index
        %get3A_333 = tpu.vector_load %arg6[%get3A_330, %get3A_331, %get3A_332] {strides = array<i32>} : memref<4x128x128xf32, #tpu.memory_space<vmem>>, vector<1x1x16xf32>,
        %get3A_334 = vector.shape_cast %get3A_333 : vector<1x1x16xf32> to vector<16xf32>
        %mul3A_335 = arith.constant 11.3137083 : f32
        %mul3A_336 = vector.broadcast %mul3A_335 : f32 to vector<16xf32>
        %mul3A_337 = arith.mulf %get3A_334, %mul3A_336 : vector<16xf32>
        %swap3A_338 = arith.constant 3 : i32
        %swap3A_339 = arith.index_cast %swap3A_338 : i32 to index
        %swap3A_340 = arith.index_cast %scan3A_298 : i32 to index
        %swap3A_341 = arith.constant 32 : index
        %swap3A_342 = tpu.vector_load %arg6[%swap3A_339, %swap3A_340, %swap3A_341] {strides = array<i32>} : memref<4x128x128xf32, #tpu.memory_space<vmem>>, vector<1x1x16xf32>,
        %swap3A_343 = vector.shape_cast %swap3A_342 : vector<1x1x16xf32> to vector<16xf32>
        %swap3A_344 = vector.shape_cast %mul3A_337 : vector<16xf32> to vector<1x1x16xf32>
        tpu.vector_store %arg6[%swap3A_339, %swap3A_340, %swap3A_341], %swap3A_344 {strides = array<i32>} : memref<4x128x128xf32, #tpu.memory_space<vmem>>, vector<1x1x16xf32>,
        %get3A_345 = arith.constant 3 : i32
        %get3A_346 = arith.index_cast %get3A_345 : i32 to index
        %get3A_347 = arith.index_cast %scan3A_298 : i32 to index
        %get3A_348 = arith.constant 48 : index
        %get3A_349 = tpu.vector_load %arg6[%get3A_346, %get3A_347, %get3A_348] {strides = array<i32>} : memref<4x128x128xf32, #tpu.memory_space<vmem>>, vector<1x1x16xf32>,
        %get3A_350 = vector.shape_cast %get3A_349 : vector<1x1x16xf32> to vector<16xf32>
        %mul3A_351 = arith.constant 11.3137083 : f32
        %mul3A_352 = vector.broadcast %mul3A_351 : f32 to vector<16xf32>
        %mul3A_353 = arith.mulf %get3A_350, %mul3A_352 : vector<16xf32>
        %swap3A_354 = arith.constant 3 : i32
        %swap3A_355 = arith.index_cast %swap3A_354 : i32 to index
        %swap3A_356 = arith.index_cast %scan3A_298 : i32 to index
        %swap3A_357 = arith.constant 48 : index
        %swap3A_358 = tpu.vector_load %arg6[%swap3A_355, %swap3A_356, %swap3A_357] {strides = array<i32>} : memref<4x128x128xf32, #tpu.memory_space<vmem>>, vector<1x1x16xf32>,
        %swap3A_359 = vector.shape_cast %swap3A_358 : vector<1x1x16xf32> to vector<16xf32>
        %swap3A_360 = vector.shape_cast %mul3A_353 : vector<16xf32> to vector<1x1x16xf32>
        tpu.vector_store %arg6[%swap3A_355, %swap3A_356, %swap3A_357], %swap3A_360 {strides = array<i32>} : memref<4x128x128xf32, #tpu.memory_space<vmem>>, vector<1x1x16xf32>,
        %get3A_361 = arith.constant 3 : i32
        %get3A_362 = arith.index_cast %get3A_361 : i32 to index
        %get3A_363 = arith.index_cast %scan3A_298 : i32 to index
        %get3A_364 = arith.constant 64 : index
        %get3A_365 = tpu.vector_load %arg6[%get3A_362, %get3A_363, %get3A_364] {strides = array<i32>} : memref<4x128x128xf32, #tpu.memory_space<vmem>>, vector<1x1x16xf32>,
        %get3A_366 = vector.shape_cast %get3A_365 : vector<1x1x16xf32> to vector<16xf32>
        %mul3A_367 = arith.constant 11.3137083 : f32
        %mul3A_368 = vector.broadcast %mul3A_367 : f32 to vector<16xf32>
        %mul3A_369 = arith.mulf %get3A_366, %mul3A_368 : vector<16xf32>
        %swap3A_370 = arith.constant 3 : i32
        %swap3A_371 = arith.index_cast %swap3A_370 : i32 to index
        %swap3A_372 = arith.index_cast %scan3A_298 : i32 to index
        %swap3A_373 = arith.constant 64 : index
        %swap3A_374 = tpu.vector_load %arg6[%swap3A_371, %swap3A_372, %swap3A_373] {strides = array<i32>} : memref<4x128x128xf32, #tpu.memory_space<vmem>>, vector<1x1x16xf32>,
        %swap3A_375 = vector.shape_cast %swap3A_374 : vector<1x1x16xf32> to vector<16xf32>
        %swap3A_376 = vector.shape_cast %mul3A_369 : vector<16xf32> to vector<1x1x16xf32>
        tpu.vector_store %arg6[%swap3A_371, %swap3A_372, %swap3A_373], %swap3A_376 {strides = array<i32>} : memref<4x128x128xf32, #tpu.memory_space<vmem>>, vector<1x1x16xf32>,
        %get3A_377 = arith.constant 3 : i32
        %get3A_378 = arith.index_cast %get3A_377 : i32 to index
        %get3A_379 = arith.index_cast %scan3A_298 : i32 to index
        %get3A_380 = arith.constant 80 : index
        %get3A_381 = tpu.vector_load %arg6[%get3A_378, %get3A_379, %get3A_380] {strides = array<i32>} : memref<4x128x128xf32, #tpu.memory_space<vmem>>, vector<1x1x16xf32>,
        %get3A_382 = vector.shape_cast %get3A_381 : vector<1x1x16xf32> to vector<16xf32>
        %mul3A_383 = arith.constant 11.3137083 : f32
        %mul3A_384 = vector.broadcast %mul3A_383 : f32 to vector<16xf32>
        %mul3A_385 = arith.mulf %get3A_382, %mul3A_384 : vector<16xf32>
        %swap3A_386 = arith.constant 3 : i32
        %swap3A_387 = arith.index_cast %swap3A_386 : i32 to index
        %swap3A_388 = arith.index_cast %scan3A_298 : i32 to index
        %swap3A_389 = arith.constant 80 : index
        %swap3A_390 = tpu.vector_load %arg6[%swap3A_387, %swap3A_388, %swap3A_389] {strides = array<i32>} : memref<4x128x128xf32, #tpu.memory_space<vmem>>, vector<1x1x16xf32>,
        %swap3A_391 = vector.shape_cast %swap3A_390 : vector<1x1x16xf32> to vector<16xf32>
        %swap3A_392 = vector.shape_cast %mul3A_385 : vector<16xf32> to vector<1x1x16xf32>
        tpu.vector_store %arg6[%swap3A_387, %swap3A_388, %swap3A_389], %swap3A_392 {strides = array<i32>} : memref<4x128x128xf32, #tpu.memory_space<vmem>>, vector<1x1x16xf32>,
        %get3A_393 = arith.constant 3 : i32
        %get3A_394 = arith.index_cast %get3A_393 : i32 to index
        %get3A_395 = arith.index_cast %scan3A_298 : i32 to index
        %get3A_396 = arith.constant 96 : index
        %get3A_397 = tpu.vector_load %arg6[%get3A_394, %get3A_395, %get3A_396] {strides = array<i32>} : memref<4x128x128xf32, #tpu.memory_space<vmem>>, vector<1x1x16xf32>,
        %get3A_398 = vector.shape_cast %get3A_397 : vector<1x1x16xf32> to vector<16xf32>
        %mul3A_399 = arith.constant 11.3137083 : f32
        %mul3A_400 = vector.broadcast %mul3A_399 : f32 to vector<16xf32>
        %mul3A_401 = arith.mulf %get3A_398, %mul3A_400 : vector<16xf32>
        %swap3A_402 = arith.constant 3 : i32
        %swap3A_403 = arith.index_cast %swap3A_402 : i32 to index
        %swap3A_404 = arith.index_cast %scan3A_298 : i32 to index
        %swap3A_405 = arith.constant 96 : index
        %swap3A_406 = tpu.vector_load %arg6[%swap3A_403, %swap3A_404, %swap3A_405] {strides = array<i32>} : memref<4x128x128xf32, #tpu.memory_space<vmem>>, vector<1x1x16xf32>,
        %swap3A_407 = vector.shape_cast %swap3A_406 : vector<1x1x16xf32> to vector<16xf32>
        %swap3A_408 = vector.shape_cast %mul3A_401 : vector<16xf32> to vector<1x1x16xf32>
        tpu.vector_store %arg6[%swap3A_403, %swap3A_404, %swap3A_405], %swap3A_408 {strides = array<i32>} : memref<4x128x128xf32, #tpu.memory_space<vmem>>, vector<1x1x16xf32>,
        %get3A_409 = arith.constant 3 : i32
        %get3A_410 = arith.index_cast %get3A_409 : i32 to index
        %get3A_411 = arith.index_cast %scan3A_298 : i32 to index
        %get3A_412 = arith.constant 112 : index
        %get3A_413 = tpu.vector_load %arg6[%get3A_410, %get3A_411, %get3A_412] {strides = array<i32>} : memref<4x128x128xf32, #tpu.memory_space<vmem>>, vector<1x1x16xf32>,
        %get3A_414 = vector.shape_cast %get3A_413 : vector<1x1x16xf32> to vector<16xf32>
        %mul3A_415 = arith.constant 11.3137083 : f32
        %mul3A_416 = vector.broadcast %mul3A_415 : f32 to vector<16xf32>
        %mul3A_417 = arith.mulf %get3A_414, %mul3A_416 : vector<16xf32>
        %swap3A_418 = arith.constant 3 : i32
        %swap3A_419 = arith.index_cast %swap3A_418 : i32 to index
        %swap3A_420 = arith.index_cast %scan3A_298 : i32 to index
        %swap3A_421 = arith.constant 112 : index
        %swap3A_422 = tpu.vector_load %arg6[%swap3A_419, %swap3A_420, %swap3A_421] {strides = array<i32>} : memref<4x128x128xf32, #tpu.memory_space<vmem>>, vector<1x1x16xf32>,
        %swap3A_423 = vector.shape_cast %swap3A_422 : vector<1x1x16xf32> to vector<16xf32>
        %swap3A_424 = vector.shape_cast %mul3A_417 : vector<16xf32> to vector<1x1x16xf32>
        tpu.vector_store %arg6[%swap3A_419, %swap3A_420, %swap3A_421], %swap3A_424 {strides = array<i32>} : memref<4x128x128xf32, #tpu.memory_space<vmem>>, vector<1x1x16xf32>,
      }
      %scan3A_276 = arith.constant 128 : i32
      %mul3A_277 = arith.constant 128 : i32
      %mul3A_278 = arith.muli %add3A_255, %mul3A_277 : i32
      %add3A_279 = arith.addi %mul3A_2, %mul3A_278 : i32
      %dma_start3A_280 = arith.constant 3 : i32
      %dma_start3A_281 = arith.constant 0 : i32
      %dma_start3A_282 = arith.constant 0 : i32
      %dma_start3A_283 = tpu.memref_slice %arg6[%dma_start3A_280, %dma_start3A_281, %dma_start3A_282] : memref<4x128x128xf32, #tpu.memory_space<vmem>> -> memref<1x128x128xf32, #tpu.memory_space<vmem>>
      %dma_start3A_284 = tpu.memref_squeeze %dma_start3A_283 : memref<1x128x128xf32, #tpu.memory_space<vmem>> -> memref<128x128xf32, #tpu.memory_space<vmem>>
      %dma_start3A_285 = arith.constant 0 : i32
      %dma_start3A_286 = tpu.memref_slice %arg4[%add3A_279, %dma_start3A_285] : memref<819200x128xf32, #tpu.memory_space<hbm>> -> memref<128x128xf32, #tpu.memory_space<hbm>>
      %dma_start3A_287 = arith.constant 0 : i32
      %dma_start3A_288 = tpu.memref_slice %arg4[%add3A_279, %dma_start3A_287] : memref<819200x128xf32, #tpu.memory_space<hbm>> -> memref<128x128xf32, #tpu.memory_space<hbm>>
      %dma_start3A_289 = arith.constant 0 : i32
      %dma_start3A_290 = arith.constant 0 : i32
      %dma_start3A_291 = tpu.memref_slice %arg6[%dma_start3A_280, %dma_start3A_289, %dma_start3A_290] : memref<4x128x128xf32, #tpu.memory_space<vmem>> -> memref<1x128x128xf32, #tpu.memory_space<vmem>>
      %dma_start3A_292 = tpu.memref_squeeze %dma_start3A_291 : memref<1x128x128xf32, #tpu.memory_space<vmem>> -> memref<128x128xf32, #tpu.memory_space<vmem>>
      tpu.enqueue_dma source(%dma_start3A_292 : memref<128x128xf32, #tpu.memory_space<vmem>>) target(%dma_start3A_288 : memref<128x128xf32, #tpu.memory_space<hbm>>) target_semaphore(%arg14 : memref<!tpu.dma_semaphore, #tpu.memory_space<semaphore_mem>>)
      %lt3A_293 = arith.constant 49 : i32
      %lt3A_294 = arith.cmpi slt, %scan3A_116, %lt3A_293 : i32
      %convert_element_type3A_295 = arith.extui %lt3A_294 : i1 to i32
      %cond3A_296 = arith.constant 0 : i32
      %cond3A_297 = arith.cmpi ne, %convert_element_type3A_295, %cond3A_296 : i32
      scf.if %cond3A_297 {
        %dma_wait3A_298 = arith.constant 3 : i32
        %dma_wait3A_299 = arith.constant 0 : i32
        %dma_wait3A_300 = arith.constant 0 : i32
        %dma_wait3A_301 = tpu.memref_slice %arg6[%dma_wait3A_298, %dma_wait3A_299, %dma_wait3A_300] : memref<4x128x128xf32, #tpu.memory_space<vmem>> -> memref<1x128x128xf32, #tpu.memory_space<vmem>>
        %dma_wait3A_302 = tpu.memref_squeeze %dma_wait3A_301 : memref<1x128x128xf32, #tpu.memory_space<vmem>> -> memref<128x128xf32, #tpu.memory_space<vmem>>
        %dma_wait3A_303 = arith.constant 0 : i32
        %dma_wait3A_304 = arith.constant 0 : i32
        %dma_wait3A_305 = tpu.memref_slice %arg4[%dma_wait3A_303, %dma_wait3A_304] : memref<819200x128xf32, #tpu.memory_space<hbm>> -> memref<128x128xf32, #tpu.memory_space<hbm>>
        %dma_wait3A_306 = arith.constant 0 : i32
        %dma_wait3A_307 = arith.constant 0 : i32
        %dma_wait3A_308 = tpu.memref_slice %arg6[%dma_wait3A_298, %dma_wait3A_306, %dma_wait3A_307] : memref<4x128x128xf32, #tpu.memory_space<vmem>> -> memref<1x128x128xf32, #tpu.memory_space<vmem>>
        %dma_wait3A_309 = tpu.memref_squeeze %dma_wait3A_308 : memref<1x128x128xf32, #tpu.memory_space<vmem>> -> memref<128x128xf32, #tpu.memory_space<vmem>>
        %dma_wait3A_310 = arith.constant 0 : i32
        %dma_wait3A_311 = arith.constant 0 : i32
        %dma_wait3A_312 = tpu.memref_slice %arg4[%dma_wait3A_310, %dma_wait3A_311] : memref<819200x128xf32, #tpu.memory_space<hbm>> -> memref<128x128xf32, #tpu.memory_space<hbm>>
        tpu.wait_dma2 semaphore(%arg14 : memref<!tpu.dma_semaphore, #tpu.memory_space<semaphore_mem>>) src(%dma_wait3A_312 : memref<128x128xf32, #tpu.memory_space<hbm>>) dst(%dma_wait3A_309 : memref<128x128xf32, #tpu.memory_space<vmem>>)
        %add3A_313 = arith.constant 4 : i32
        %add3A_314 = arith.addi %add3A_255, %add3A_313 : i32
        %dma_start3A_315 = arith.constant 3 : i32
        %dma_start3A_316 = arith.constant 0 : i32
        %dma_start3A_317 = arith.constant 0 : i32
        %dma_start3A_318 = tpu.memref_slice %arg6[%dma_start3A_315, %dma_start3A_316, %dma_start3A_317] : memref<4x128x128xf32, #tpu.memory_space<vmem>> -> memref<1x128x128xf32, #tpu.memory_space<vmem>>
        %dma_start3A_319 = tpu.memref_squeeze %dma_start3A_318 : memref<1x128x128xf32, #tpu.memory_space<vmem>> -> memref<128x128xf32, #tpu.memory_space<vmem>>
        %dma_start3A_320 = arith.constant 0 : i32
        %dma_start3A_321 = tpu.memref_slice %arg5[%add3A_314, %dma_start3A_320] : memref<200x128xi32, #tpu.memory_space<vmem>> -> memref<1x128xi32, #tpu.memory_space<vmem>>
        %dma_start3A_322 = tpu.memref_squeeze %dma_start3A_321 : memref<1x128xi32, #tpu.memory_space<vmem>> -> memref<128xi32, #tpu.memory_space<vmem>>
        %dma_start3A_323 = arith.constant 0 : i32
        %dma_start3A_324 = arith.constant 0 : i32
        %dma_start3A_325 = tpu.memref_slice %arg3[%dma_start3A_323, %dma_start3A_324] : memref<100000x128xf32, #tpu.memory_space<hbm>> -> memref<100000x128xf32, #tpu.memory_space<hbm>>
        tpu.enqueue_indirect_dma source(%dma_start3A_325 : memref<100000x128xf32, #tpu.memory_space<hbm>>) target(%dma_start3A_319 : memref<128x128xf32, #tpu.memory_space<vmem>>) offsets(%dma_start3A_322 : memref<128xi32, #tpu.memory_space<vmem>>) semaphore(%arg10 : memref<!tpu.dma_semaphore, #tpu.memory_space<semaphore_mem>>)
      } else {
      }
    }
    %scan3A_56 = arith.constant 50 : i32
    %dma_wait3A = arith.constant 0 : i32
    %dma_wait3A_57 = arith.constant 0 : i32
    %dma_wait3A_58 = arith.constant 0 : i32
    %dma_wait3A_59 = tpu.memref_slice %arg6[%dma_wait3A, %dma_wait3A_57, %dma_wait3A_58] : memref<4x128x128xf32, #tpu.memory_space<vmem>> -> memref<1x128x128xf32, #tpu.memory_space<vmem>>
    %dma_wait3A_60 = tpu.memref_squeeze %dma_wait3A_59 : memref<1x128x128xf32, #tpu.memory_space<vmem>> -> memref<128x128xf32, #tpu.memory_space<vmem>>
    %dma_wait3A_61 = arith.constant 0 : i32
    %dma_wait3A_62 = arith.constant 0 : i32
    %dma_wait3A_63 = tpu.memref_slice %arg4[%dma_wait3A_61, %dma_wait3A_62] : memref<819200x128xf32, #tpu.memory_space<hbm>> -> memref<128x128xf32, #tpu.memory_space<hbm>>
    %dma_wait3A_64 = arith.constant 0 : i32
    %dma_wait3A_65 = arith.constant 0 : i32
    %dma_wait3A_66 = tpu.memref_slice %arg6[%dma_wait3A, %dma_wait3A_64, %dma_wait3A_65] : memref<4x128x128xf32, #tpu.memory_space<vmem>> -> memref<1x128x128xf32, #tpu.memory_space<vmem>>
    %dma_wait3A_67 = tpu.memref_squeeze %dma_wait3A_66 : memref<1x128x128xf32, #tpu.memory_space<vmem>> -> memref<128x128xf32, #tpu.memory_space<vmem>>
    %dma_wait3A_68 = arith.constant 0 : i32
    %dma_wait3A_69 = arith.constant 0 : i32
    %dma_wait3A_70 = tpu.memref_slice %arg4[%dma_wait3A_68, %dma_wait3A_69] : memref<819200x128xf32, #tpu.memory_space<hbm>> -> memref<128x128xf32, #tpu.memory_space<hbm>>
    tpu.wait_dma2 semaphore(%arg11 : memref<!tpu.dma_semaphore, #tpu.memory_space<semaphore_mem>>) src(%dma_wait3A_70 : memref<128x128xf32, #tpu.memory_space<hbm>>) dst(%dma_wait3A_67 : memref<128x128xf32, #tpu.memory_space<vmem>>)
    %dma_wait3A_71 = arith.constant 1 : i32
    %dma_wait3A_72 = arith.constant 0 : i32
    %dma_wait3A_73 = arith.constant 0 : i32
    %dma_wait3A_74 = tpu.memref_slice %arg6[%dma_wait3A_71, %dma_wait3A_72, %dma_wait3A_73] : memref<4x128x128xf32, #tpu.memory_space<vmem>> -> memref<1x128x128xf32, #tpu.memory_space<vmem>>
    %dma_wait3A_75 = tpu.memref_squeeze %dma_wait3A_74 : memref<1x128x128xf32, #tpu.memory_space<vmem>> -> memref<128x128xf32, #tpu.memory_space<vmem>>
    %dma_wait3A_76 = arith.constant 0 : i32
    %dma_wait3A_77 = arith.constant 0 : i32
    %dma_wait3A_78 = tpu.memref_slice %arg4[%dma_wait3A_76, %dma_wait3A_77] : memref<819200x128xf32, #tpu.memory_space<hbm>> -> memref<128x128xf32, #tpu.memory_space<hbm>>
    %dma_wait3A_79 = arith.constant 0 : i32
    %dma_wait3A_80 = arith.constant 0 : i32
    %dma_wait3A_81 = tpu.memref_slice %arg6[%dma_wait3A_71, %dma_wait3A_79, %dma_wait3A_80] : memref<4x128x128xf32, #tpu.memory_space<vmem>> -> memref<1x128x128xf32, #tpu.memory_space<vmem>>
    %dma_wait3A_82 = tpu.memref_squeeze %dma_wait3A_81 : memref<1x128x128xf32, #tpu.memory_space<vmem>> -> memref<128x128xf32, #tpu.memory_space<vmem>>
    %dma_wait3A_83 = arith.constant 0 : i32
    %dma_wait3A_84 = arith.constant 0 : i32
    %dma_wait3A_85 = tpu.memref_slice %arg4[%dma_wait3A_83, %dma_wait3A_84] : memref<819200x128xf32, #tpu.memory_space<hbm>> -> memref<128x128xf32, #tpu.memory_space<hbm>>
    tpu.wait_dma2 semaphore(%arg12 : memref<!tpu.dma_semaphore, #tpu.memory_space<semaphore_mem>>) src(%dma_wait3A_85 : memref<128x128xf32, #tpu.memory_space<hbm>>) dst(%dma_wait3A_82 : memref<128x128xf32, #tpu.memory_space<vmem>>)
    %dma_wait3A_86 = arith.constant 2 : i32
    %dma_wait3A_87 = arith.constant 0 : i32
    %dma_wait3A_88 = arith.constant 0 : i32
    %dma_wait3A_89 = tpu.memref_slice %arg6[%dma_wait3A_86, %dma_wait3A_87, %dma_wait3A_88] : memref<4x128x128xf32, #tpu.memory_space<vmem>> -> memref<1x128x128xf32, #tpu.memory_space<vmem>>
    %dma_wait3A_90 = tpu.memref_squeeze %dma_wait3A_89 : memref<1x128x128xf32, #tpu.memory_space<vmem>> -> memref<128x128xf32, #tpu.memory_space<vmem>>
    %dma_wait3A_91 = arith.constant 0 : i32
    %dma_wait3A_92 = arith.constant 0 : i32
    %dma_wait3A_93 = tpu.memref_slice %arg4[%dma_wait3A_91, %dma_wait3A_92] : memref<819200x128xf32, #tpu.memory_space<hbm>> -> memref<128x128xf32, #tpu.memory_space<hbm>>
    %dma_wait3A_94 = arith.constant 0 : i32
    %dma_wait3A_95 = arith.constant 0 : i32
    %dma_wait3A_96 = tpu.memref_slice %arg6[%dma_wait3A_86, %dma_wait3A_94, %dma_wait3A_95] : memref<4x128x128xf32, #tpu.memory_space<vmem>> -> memref<1x128x128xf32, #tpu.memory_space<vmem>>
    %dma_wait3A_97 = tpu.memref_squeeze %dma_wait3A_96 : memref<1x128x128xf32, #tpu.memory_space<vmem>> -> memref<128x128xf32, #tpu.memory_space<vmem>>
    %dma_wait3A_98 = arith.constant 0 : i32
    %dma_wait3A_99 = arith.constant 0 : i32
    %dma_wait3A_100 = tpu.memref_slice %arg4[%dma_wait3A_98, %dma_wait3A_99] : memref<819200x128xf32, #tpu.memory_space<hbm>> -> memref<128x128xf32, #tpu.memory_space<hbm>>
    tpu.wait_dma2 semaphore(%arg13 : memref<!tpu.dma_semaphore, #tpu.memory_space<semaphore_mem>>) src(%dma_wait3A_100 : memref<128x128xf32, #tpu.memory_space<hbm>>) dst(%dma_wait3A_97 : memref<128x128xf32, #tpu.memory_space<vmem>>)
    %dma_wait3A_101 = arith.constant 3 : i32
    %dma_wait3A_102 = arith.constant 0 : i32
    %dma_wait3A_103 = arith.constant 0 : i32
    %dma_wait3A_104 = tpu.memref_slice %arg6[%dma_wait3A_101, %dma_wait3A_102, %dma_wait3A_103] : memref<4x128x128xf32, #tpu.memory_space<vmem>> -> memref<1x128x128xf32, #tpu.memory_space<vmem>>
    %dma_wait3A_105 = tpu.memref_squeeze %dma_wait3A_104 : memref<1x128x128xf32, #tpu.memory_space<vmem>> -> memref<128x128xf32, #tpu.memory_space<vmem>>
    %dma_wait3A_106 = arith.constant 0 : i32
    %dma_wait3A_107 = arith.constant 0 : i32
    %dma_wait3A_108 = tpu.memref_slice %arg4[%dma_wait3A_106, %dma_wait3A_107] : memref<819200x128xf32, #tpu.memory_space<hbm>> -> memref<128x128xf32, #tpu.memory_space<hbm>>
    %dma_wait3A_109 = arith.constant 0 : i32
    %dma_wait3A_110 = arith.constant 0 : i32
    %dma_wait3A_111 = tpu.memref_slice %arg6[%dma_wait3A_101, %dma_wait3A_109, %dma_wait3A_110] : memref<4x128x128xf32, #tpu.memory_space<vmem>> -> memref<1x128x128xf32, #tpu.memory_space<vmem>>
    %dma_wait3A_112 = tpu.memref_squeeze %dma_wait3A_111 : memref<1x128x128xf32, #tpu.memory_space<vmem>> -> memref<128x128xf32, #tpu.memory_space<vmem>>
    %dma_wait3A_113 = arith.constant 0 : i32
    %dma_wait3A_114 = arith.constant 0 : i32
    %dma_wait3A_115 = tpu.memref_slice %arg4[%dma_wait3A_113, %dma_wait3A_114] : memref<819200x128xf32, #tpu.memory_space<hbm>> -> memref<128x128xf32, #tpu.memory_space<hbm>>
    tpu.wait_dma2 semaphore(%arg14 : memref<!tpu.dma_semaphore, #tpu.memory_space<semaphore_mem>>) src(%dma_wait3A_115 : memref<128x128xf32, #tpu.memory_space<hbm>>) dst(%dma_wait3A_112 : memref<128x128xf32, #tpu.memory_space<vmem>>)
    return
  }
}

</mosaic_0001>

<sc_bundles>
// kernel: kernel.3.cloned.1.call-start
scs
__scs_entry_jumppad:
0x0: {  	(pc) =	sbr.rel $0x88, $3  }
0x1: {  	(tag) =	ssettag $0x0;
	lr =	simm.s32 $0x1  }
0x2: {  	[smem:$0x3F9F] =	sst lr;
	_ =	strace $0xD0000000  }
0x3: {  	_ = 	snop  }
0x4: {  	_ = 	snop  }
0x5: {  	_ = 	snop  }
0x6: {  	_ = 	snop  }
0x7: {  	_ = 	snop  }
__scs_overlays_trampoline_lowered:
0x8: {  	[smem:$0x3FAE] =	sst s0  }
0x9: {  	[smem:$0x3FAF] =	sst s1  }
0xa: {  	[smem:$0x3FB0] =	sst s2  }
0xb: {  	[smem:$0x3FB1] =	sst s3  }
0xc: {  	[smem:$0x3FB2] =	sst s4  }
0xd: {  	[smem:$0x3FB3] =	sst s5  }
0xe: {  	[smem:$0x3FB4] =	sst s6  }
0xf: {  	[smem:$0x3FB5] =	sst s7  }
0x10: {  	[smem:$0x3FB6] =	sst s8  }
0x11: {  	[smem:$0x3FB7] =	sst s9;
	s0 =	simm.s32 @!p0 $0x0  }
0x12: {  	s1 =	sld [smem:$0x3F9D];
	s0 =	simm.s32 @p0 $0x1  }
0x13: {  	[smem:$0x3FB8] =	sst s0;
	s0 =	simm.s32 @!p1 $0x0  }
0x14: {  	s2 =	sld [smem:$0x3F9C];
	s0 =	simm.s32 @p1 $0x1  }
0x15: {  	[smem:$0x3FB9] =	sst s0;
	s0 =	simm.s32 @!p2 $0x0  }
0x16: {  	s3 =	sld [smem:$0x3FDB];
	s0 =	simm.s32 @p2 $0x1  }
0x17: {  	s4 =	simm.s32 $0x1BF5;
	[smem:$0x3FBB] =	sst s0  }
0x18: {  	s0 =	sld [smem:$0x3F9E];
	_ =	swait.ge [sflag:s4], $0x0  }
0x19: {  	s7 =	sld [smem:$0x3F9F]  }
0x1a: {  	s8 =	sadd.s32 $0xFFFFE003, lr  }
0x1b: {  	s9 =	sadd.s32 $0xFFFFFEF7, lr;
	s5 =	simm.s32 $0xFFFFFFFF;
	p2 =	slt.u32 s8, $0xFFFFF086  }
0x1c: {  	p1 =	slt.u32 s9, $0xF7A;
	s5 =	simm.s32 @!p2 $0x0  }
0x1d: {  	s5 =	simm.s32 @p1 $0x1;
	p0 =	seq.s32 s7, s2  }
0x1e: {  	s7 =	smul.u32 @!p0 $0xF7A, s2;
	p2 =	seq.s32 @!p0 s5, $0x0  }
0x1f: {  	s9 =	smul.u32 $0xF7A, s1;
	s8 =	simm.s32 @!p0 $0x1BF5;
	p2 =	por !p2, p0  }
0x20: {  	[sflag:s8] =	ssyncset.s32 @!p0 $0xFFFFF086;
	s6 =	sadd.s32 @!p0 s3, s7;
	s7 =	simm.s32 @!p0 $0x108  }
0x21: {  	s3 =	sadd.s32 s3, s9;
	s6 =	sadd.s32 @!p0 $0x88, s6;
	s7 =	simm.s32 @p2 $0x1082  }
0x22: {  	[simem:s7], [sflag:s8] =	dma.local @!p0 [hbm:s6], $0xF7A  }
0x23: {  	s9 =	sor.u32 $0xD0000000, s2;
	s6 =	simm.s32 $0x108;
	_ =	swait.ge @!p0 [sflag:s8], $0x0  }
0x24: {  	s3 =	sadd.s32 $0x88, s3;
	s6 =	simm.s32 @!p1 $0x1082;
	[sflag:s4] =	ssyncset.s32 $0xFFFFF086  }
0x25: {  	[simem:s6], [sflag:s4] =	dma.local [hbm:s3], $0xF7A  }
0x26: {  	[smem:$0x3F9F] =	sst s1;
	(tag) =	ssettag s2;
	_ =	strace s9  }
0x27: {  	s1 =	sld [smem:$0x3FAF]  }
0x28: {  	s2 =	sld [smem:$0x3FB0]  }
0x29: {  	s4 =	sld [smem:$0x3FB2]  }
0x2a: {  	p0 =	seq.s32 s5, $0x0;
	s5 =	sld [smem:$0x3FB3]  }
0x2b: {  	s6 =	sld [smem:$0x3FB4]  }
0x2c: {  	s7 =	sld [smem:$0x3FB5]  }
0x2d: {  	s3 =	simm.s32 $0x108;
	s8 =	sld [smem:$0x3FB6]  }
0x2e: {  	s3 =	simm.s32 @!p0 $0x1082;
	s9 =	sld [smem:$0x3FB7]  }
0x2f: {  	lr =	sadd.s32 s0, s3;
	s0 =	sld [smem:$0x3FAE]  }
0x30: {  	s3 =	sld [smem:$0x3FB1]  }
0x31: {  	[smem:$0x3FBA] =	sst s10  }
0x32: {  	s10 =	sld [smem:$0x3FB8];
	_ =	sdelay $0x3  }
0x33: {  	p0 =	seq.s32 s10, $0x1;
	s10 =	sld [smem:$0x3FBA];
	_ =	sdelay $0x3  }
0x34: {  	[smem:$0x3FBA] =	sst s10  }
0x35: {  	s10 =	sld [smem:$0x3FB9];
	_ =	sdelay $0x3  }
0x36: {  	p1 =	seq.s32 s10, $0x1;
	s10 =	sld [smem:$0x3FBA];
	_ =	sdelay $0x3  }
0x37: {  	[smem:$0x3FBA] =	sst s10  }
0x38: {  	s10 =	sld [smem:$0x3FBB]  }
0x39: {  	_ = 	snop;
	(pc) =	sbr.ind lr, $3  }
0x3a: {  	_ = 	snop  }
0x3b: {  	_ = 	snop  }
0x3c: {  	p2 =	seq.s32 s10, $0x1;
	s10 =	sld [smem:$0x3FBA]  }
0x3d: {  	_ =	shalt  }
0x3e: {  	_ =	shalt  }
0x3f: {  	_ =	shalt  }
0x40: {  	_ =	shalt  }
0x41: {  	_ =	shalt  }
0x42: {  	_ =	shalt  }
0x43: {  	_ =	shalt  }
0x44: {  	_ =	shalt  }
0x45: {  	_ =	shalt  }
0x46: {  	_ =	shalt  }
0x47: {  	_ =	shalt  }
0x48: {  	_ =	shalt  }
0x49: {  	_ =	shalt  }
0x4a: {  	_ =	shalt  }
0x4b: {  	_ =	shalt  }
0x4c: {  	_ =	shalt  }
0x4d: {  	_ =	shalt  }
0x4e: {  	_ =	shalt  }
0x4f: {  	_ =	shalt  }
0x50: {  	_ =	shalt  }
0x51: {  	_ =	shalt  }
0x52: {  	_ =	shalt  }
0x53: {  	_ =	shalt  }
0x54: {  	_ =	shalt  }
0x55: {  	_ =	shalt  }
0x56: {  	_ =	shalt  }
0x57: {  	_ =	shalt  }
0x58: {  	_ =	shalt  }
0x59: {  	_ =	shalt  }
0x5a: {  	_ =	shalt  }
0x5b: {  	_ =	shalt  }
0x5c: {  	_ =	shalt  }
0x5d: {  	_ =	shalt  }
0x5e: {  	_ =	shalt  }
0x5f: {  	_ =	shalt  }
0x60: {  	_ =	shalt  }
0x61: {  	_ =	shalt  }
0x62: {  	_ =	shalt  }
0x63: {  	_ =	shalt  }
0x64: {  	_ =	shalt  }
0x65: {  	_ =	shalt  }
0x66: {  	_ =	shalt  }
0x67: {  	_ =	shalt  }
0x68: {  	_ =	shalt  }
0x69: {  	_ =	shalt  }
0x6a: {  	_ =	shalt  }
0x6b: {  	_ =	shalt  }
0x6c: {  	_ =	shalt  }
0x6d: {  	_ =	shalt  }
0x6e: {  	_ =	shalt  }
0x6f: {  	_ =	shalt  }
0x70: {  	_ =	shalt  }
0x71: {  	_ =	shalt  }
0x72: {  	_ =	shalt  }
0x73: {  	_ =	shalt  }
0x74: {  	_ =	shalt  }
0x75: {  	_ =	shalt  }
0x76: {  	_ =	shalt  }
0x77: {  	_ =	shalt  }
0x78: {  	_ =	shalt  }
0x79: {  	_ =	shalt  }
0x7a: {  	_ =	shalt  }
0x7b: {  	_ =	shalt  }
0x7c: {  	_ =	shalt  }
0x7d: {  	_ =	shalt  }
0x7e: {  	_ =	shalt  }
0x7f: {  	_ =	shalt  }
0x80: {  	_ =	shalt  }
0x81: {  	_ =	shalt  }
0x82: {  	_ =	shalt  }
0x83: {  	_ =	shalt  }
0x84: {  	_ =	shalt  }
0x85: {  	_ =	shalt  }
0x86: {  	_ =	shalt  }
0x87: {  	_ =	shalt  }
.Lfunc_end0:
.L_simem_size_0:
called_computation_lowered:
.L_overlay_start_0:
0x88: {  	s2 =	sld [smem:$0x3FD9]  }
0x89: {  	s3 =	sld [smem:$0x3FFE];
	_ =	sdelay $0x1  }
0x8a: {  	s1 =	srdreg.scid  }
0x8b: {  	s0 =	sand.u32 $0x1, s1  }
0x8c: {  	s17 =	sshll.u32 s0, $0xA;
	s2 =	sadd.s32 s3, s2  }
0x8d: {  	s2 =	sadd.s32 s2, s17  }
0x8e: {  	[smem:$0x3FC6] =	sst s2  }
0x8f: {  	_ = 	snop  }
0x90: {  	s2 =	sld [smem:$0x3FC8]  }
0x91: {  	s18 =	sld [smem:$0x3FD0];
	(tm) =	ssettm $0x1  }
0x92: {  	s4 =	sld [smem:$0x3FFB];
	_ =	sdelay $0x3  }
0x93: {  	_ =	strace s4  }
0x94: {  	s4 =	sld [smem:$0x3FFC];
	_ =	sdelay $0x3  }
0x95: {  	_ =	strace s4  }
0x96: {  	s4 =	sld [smem:$0x3FFD];
	_ =	sdelay $0x3  }
0x97: {  	_ =	strace s4  }
0x98: {  	_ =	strace $0x8FFFFFFF  }
0x99: {  	s19 =	sld [smem:$0x3FDB];
	_ =	sdelay $0x1  }
0x9a: {  	s5 =	simm.s32 $_scs_section_size  }
0x9b: {  	s6 =	simm.s32 $_size__tile_overlayer_lowered;
	s7 =	simm.s32 $_tile_overlayer_lowered  }
0x9c: {  	s22 =	simm.s32 $0x1BFF;
	s21 =	sshll.u32 s7, $0x1;
	s4 =	sadd.s32 s5, s19  }
0x9d: {  	s8 =	simm.s32 $0x0;
	s20 =	sshll.u32 s6, $0x1;
	s6 =	sadd.s32 s21, s4  }
0x9e: {  	[timem:s8], [sflag:s22] =	dma.local [hbm:s6], s20  }
0x9f: {  	_ =	swait.ge [sflag:s22], s20  }
0xa0: {  	s5 =	ssub.s32 $0x0, s20;
	[sflag:s22] =	ssyncset.done $0x0  }
0xa1: {  	[sflag:s22] =	ssyncadd.s32 s5;
	_ =	sdelay $0x1  }
0xa2: {  	s23 =	simm.s32 $0x1B8B  }
0xa3: {  	_ =	swait.ge [sflag:s23], $0x1  }
0xa4: {  	[sflag:s23] =	ssyncset.done $0x0  }
0xa5: {  	s25 =	simm.s32 $0x1B8E;
	s24 =	sld [smem:$0x3FFE];
	[sflag:s23] =	ssyncadd.s32 $0xFFFFFFFF  }
0xa6: {  	s26 =	simm.s32 $execute0_lowered;
	[smem:$0x3FD2] =	sst s25  }
0xa7: {  	s6 =	sshll.u32 s26, $0x1;
	_ =	strace $0x80000046;
	[dreg:$0x1] =	wrdreg $0xFFFFFFFF  }
0xa8: {  	s28 =	simm.s32 $_size_execute0_lowered;
	s4 =	sadd.s32 s4, s6;
	[dreg:$0x0] =	wrdreg $0x0  }
0xa9: {  	s6 =	sshll.u32 s28, $0x1;
	[dreg:$0x2] =	wrdreg s4  }
0xaa: {  	[dreg:$0x3] =	wrdreg s6  }
0xab: {  	[dreg:$0x4] =	wrdreg $0xC0  }
0xac: {  	_ =	task [dreg:s8], $0x5FFFF  }
0xad: {  	[dreg:$0x1] =	wrdreg $0xFFFFFFFF  }
0xae: {  	[dreg:$0x0] =	wrdreg $0x60  }
0xaf: {  	[dreg:$0x2] =	wrdreg s24  }
0xb0: {  	[dreg:$0x3] =	wrdreg s2  }
0xb1: {  	[dreg:$0x4] =	wrdreg s18  }
0xb2: {  	[dreg:$0x5] =	wrdreg $0x9  }
0xb3: {  	_ =	task.clear_ibuf [dreg:s8], $0x6FFFF;
	_ =	strace $0x90000046  }
0xb4: {  	s29 =	simm.s32 $0x9;
	_ =	strace $0x80000048  }
0xb5: {  	_ =	swait.ge [sflag:s29], $0x1  }
0xb6: {  	[sflag:s29] =	ssyncadd.s32 $0xFFFFFFFF  }
0xb7: {  	_ =	strace $0x90000048  }
0xb8: {  	_ =	sfence  }
0xb9: {  	s30 =	sld [smem:$0x0];
	_ =	sdelay $0x2  }
0xba: {  	s31 =	sshll.u32 s1, $0xD;
	s1 =	sshrl.u32 s1, $0x2  }
0xbb: {  	s3 =	sand.u32 $0x4000, s31;
	s1 =	sadd.s32 s1, s30  }
0xbc: {  	s0 =	sor.u32 s3, s0;
	s1 =	sshll.u32 s1, $0x11  }
0xbd: {  	s0 =	sor.u32 s1, s0  }
0xbe: {  	s0 =	sadd.s32 $0x8F2B, s0  }
0xbf: {  	[sflag:s0] =	ssyncadd.remote.s32 $0x1  }
0xc0: {  	_ =	sfence.sel $0xFFFF  }
0xc1: {  	[dreg:$0x0] =	wrdreg $0xFFFFFFFF;
	(pc) =	sbr.abs _section_cstart, $3  }
0xc2: {  	[dreg:$0x1] =	wrdreg $0xFFFFFFFF  }
0xc3: {  	_ =	task.clear_ibuf [dreg:s8], $0x2FFFF;
	_ =	strace $0x9FFFFFFF  }
0xc4: {  	(tm) =	ssettm $0x7FFFFFFF  }
0xc5: {  	_ =	shalt  }
tec
execute0_lowered:
.L_overlay_start_1:
0x0: {  	(tag) =	ssettag $0x1  }
0x1: {  	s0 =	rddreg [dreg:$0x0]  }
0x2: {  	s2 =	rddreg [dreg:$0x1]  }
0x3: {  	s1 =	srdreg.scid;
	s4 =	stileid.u32  }
0x4: {  	s3 =	rddreg [dreg:$0x2];
	s11 =	simm.s32 $0x9;
	s12 =	simm.s32 $0x80  }
0x5: {  	s13 =	simm.s32 $0x6400;
	s14 =	simm.s32 $0xA400;
	s16 =	simm.s32 $0xE400  }
0x6: {  	s17 =	simm.s32 $0x180;
	s18 =	simm.s32 $0x12400;
	s19 =	simm.s32 $0x1  }
0x7: {  	s20 =	simm.s32 $0x2;
	s21 =	simm.s32 $0x3;
	s22 =	simm.s32 $0x4  }
0x8: {  	s23 =	simm.s32 $0x5;
	s1 =	sand.u32 $0x1, s1;
	s5 =	sshll.u32 s4, $0x1  }
0x9: {  	s24 =	simm.s32 $0x6;
	s25 =	simm.s32 $0x7;
	s6 =	sor.u32 s1, s5  }
0xa: {  	s26 =	simm.s32 $0x8;
	s28 =	simm.s32 $0x0;
	s5 =	smul.u32 $0xC80, s6  }
.Ltmp0:
0xb: {  	s4 =	simm.s32 $0x0;
	s1 =	ssub.s32 $0x2, s1;
	(pc) =	sbr.rel .LBB2_1-.Ltmp0, $4  }
0xc: {  	[smem:$0x7FF] =	sst s4;
	s31 =	sshrl.u32 s1, $0x1;
	s9 =	smul.u32 $0x6400, s6  }
0xd: {  	_ =	strace $0x80000047;
	s6 =	smul.u32 $0x320000, s6;
	s1 =	ssub.s32 s1, s31  }
0xe: {  	s0 =	sadd.s32 s5, s0;
	s7 =	sor.u32 $0x80, s9;
	s8 =	sor.u32 $0x100, s9  }
0xf: {  	s9 =	sor.u32 $0x180, s9;
	s10 =	smax.u32 s1, $0x1;
	s5 =	sadd.s32 $0x400, s0  }
.LBB2_12:
0x10: {  	_ =	swait.ge [sflag:s23], $0x4000  }
0x11: {  	[sflag:s23] =	ssyncset.done $0x0  }
0x12: {  	[sflag:s23] =	ssyncadd.s32 $0xFFFFC000  }
0x13: {  	_ =	swait.ge [sflag:s24], $0x4000  }
0x14: {  	[sflag:s24] =	ssyncset.done $0x0  }
0x15: {  	s28 =	sadd.s32 $0x1, s28;
	[sflag:s24] =	ssyncadd.s32 $0xFFFFC000  }
0x16: {  	p0 =	sne.s32 s28, s10;
	_ =	swait.ge [sflag:s25], $0x4000  }
.Ltmp1:
0x17: {  	[sflag:s25] =	ssyncset.done $0x0;
	(pc) =	sbr.rel @!p0 .LBB2_13-.Ltmp1, $4  }
0x18: {  	[sflag:s25] =	ssyncadd.s32 $0xFFFFC000  }
0x19: {  	_ =	swait.ge [sflag:s26], $0x4000  }
0x1a: {  	[sflag:s26] =	ssyncset.done $0x0  }
0x1b: {  	[sflag:s26] =	ssyncadd.s32 $0xFFFFC000  }
.LBB2_1:
0x1c: {  	[tilespmem:s4], [sflag:$0x9] =	stream.linear.gather [hbm4b:s5+s4], $0x6400, $0x38;
	[tilespmem:$0x16400] =	vst v63  }
0x1d: {  	_ =	swait.ge [sflag:s11], $0x6400  }
0x1e: {  	[sflag:s11] =	ssyncset.done $0x0  }
0x1f: {  	[sflag:s11] =	ssyncadd.s32 $0xFFFF9C00  }
0x20: {  	[tilespmem:s13], [sflag:$0x1] =	stream.indirect.gather [hbm4b:s2+s12], $0x80, s4, s12, $0xb8;
	[tilespmem:$0x16400] =	vst v63  }
0x21: {  	_ = 	snop  }
0x22: {  	[tilespmem:s14], [sflag:$0x2] =	stream.indirect.gather [hbm4b:s2+s12], $0x80, s12, s12, $0xb8;
	[tilespmem:$0x16400] =	vst v63  }
0x23: {  	s0 =	simm.s32 $0x100  }
0x24: {  	[tilespmem:s16], [sflag:$0x3] =	stream.indirect.gather [hbm4b:s2+s12], $0x80, s0, s12, $0xb8;
	[tilespmem:$0x16400] =	vst v63  }
0x25: {  	s29 =	simm.s32 $0x0  }
0x26: {  	[tilespmem:s18], [sflag:$0x4] =	stream.indirect.gather [hbm4b:s2+s12], $0x80, s17, s12, $0xb8;
	[tilespmem:$0x16400] =	vst v63  }
.LBB2_2:
0x27: {  	_ =	swait.ge [sflag:s19], $0x4000  }
0x28: {  	[sflag:s19] =	ssyncset.done $0x0  }
0x29: {  	s30 =	simm.s32 $0x0;
	[sflag:s19] =	ssyncadd.s32 $0xFFFFC000  }
0x2a: {  	v3 =	vld [tilespmem:s30+$0x6400]  }
0x2b: {  	v5 =	vld [tilespmem:s30+$0x6410]  }
0x2c: {  	v4 =	vld [tilespmem:s30+$0x6420]  }
0x2d: {  	v2 =	vld [tilespmem:s30+$0x6430]  }
0x2e: {  	v0 =	vld [tilespmem:s30+$0x6440]  }
0x2f: {  	v1 =	vld [tilespmem:s30+$0x6450];
	v6 =	vmul.f32 $1.131370830e+01, v3  }
0x30: {  	s1 =	simm.s32 $0x200;
	v5 =	vmul.f32 $1.131370830e+01, v5;
	v3 =	vld [tilespmem:s30+$0x6460]  }
.LBB2_3:
0x31: {  	s0 =	sshra.s32 s1, $0x2;
	p0 =	sne.s32 s1, $0xFE00;
	[tilespmem:s30+$0x6400] =	vst v6;
	v4 =	vmul.f32 $1.131370830e+01, v4;
	v6 =	vld [tilespmem:s30+$0x6470]  }
0x32: {  	v7 =	vld [tilespmem:s0+$0x6400];
	[tilespmem:s30+$0x6410] =	vst v5;
	v2 =	vmul.f32 $1.131370830e+01, v2  }
0x33: {  	v5 =	vld [tilespmem:s0+$0x6410];
	[tilespmem:s30+$0x6420] =	vst v4;
	v0 =	vmul.f32 $1.131370830e+01, v0  }
.Ltmp2:
0x34: {  	v4 =	vld [tilespmem:s0+$0x6420];
	[tilespmem:s30+$0x6430] =	vst v2;
	v1 =	vmul.f32 $1.131370830e+01, v1;
	(pc) =	sbr.rel @p0 .LBB2_3-.Ltmp2, $4  }
0x35: {  	v2 =	vld [tilespmem:s0+$0x6430];
	[tilespmem:s30+$0x6440] =	vst v0;
	v3 =	vmul.f32 $1.131370830e+01, v3  }
0x36: {  	v0 =	vld [tilespmem:s0+$0x6440];
	[tilespmem:s30+$0x6450] =	vst v1;
	v8 =	vmul.f32 $1.131370830e+01, v6  }
0x37: {  	v6 =	vmul.f32 $1.131370830e+01, v7;
	v1 =	vld [tilespmem:s0+$0x6450];
	[tilespmem:s30+$0x6460] =	vst v3  }
0x38: {  	s1 =	sadd.s32 $0x200, s1;
	v5 =	vmul.f32 $1.131370830e+01, v5;
	v3 =	vld [tilespmem:s0+$0x6460];
	[tilespmem:s30+$0x6470] =	vst v8;
	s30 =	smov.u32 s0  }
0x39: {  	[tilespmem:s30+$0x6400] =	vst v6;
	v4 =	vmul.f32 $1.131370830e+01, v4;
	v6 =	vld [tilespmem:s30+$0x6470]  }
0x3a: {  	[tilespmem:s30+$0x6410] =	vst v5;
	v2 =	vmul.f32 $1.131370830e+01, v2  }
0x3b: {  	[tilespmem:s30+$0x6420] =	vst v4;
	v0 =	vmul.f32 $1.131370830e+01, v0  }
0x3c: {  	[tilespmem:s30+$0x6430] =	vst v2;
	v1 =	vmul.f32 $1.131370830e+01, v1  }
0x3d: {  	s0 =	sshll.u32 s29, $0x10;
	[tilespmem:s30+$0x6440] =	vst v0;
	v0 =	vmul.f32 $1.131370830e+01, v3  }
0x3e: {  	s0 =	sadd.s32 s6, s0;
	[tilespmem:s30+$0x6450] =	vst v1;
	v1 =	vmul.f32 $1.131370830e+01, v6  }
0x3f: {  	s0 =	sshrl.u32 s0, $0x3;
	[tilespmem:s30+$0x6460] =	vst v0  }
0x40: {  	p0 =	seq.s32 s29, $0x31;
	s0 =	sadd.s32 s3, s0;
	[tilespmem:s30+$0x6470] =	vst v1  }
0x41: {  	[hbm4b:s0+s4] =	stream.linear.scatter [tilespmem:s13], [sflag:$0x5], $0x4000, $0x38;
	[tilespmem:$0x16400] =	vst v63  }
0x42: {  	s0 =	simm.s32 @!p0 $0x5  }
0x43: {  	s1 =	sshll.u32 @!p0 s29, $0x9;
	_ =	swait.ge @!p0 [sflag:s0], $0x4000  }
0x44: {  	s31 =	sand.u32 @!p0 $0x3FFFFE00, s1;
	s1 =	simm.s32 @!p0 $0x80;
	[sflag:s0] =	ssyncset.done @!p0 $0x0  }
0x45: {  	s30 =	simm.s32 @!p0 $0x6400;
	[sflag:s0] =	ssyncadd.s32 @!p0 $0xFFFFC000;
	s0 =	sadd.s32 @!p0 $0x200, s31  }
0x46: {  	[tilespmem:s30], [sflag:$0x1] =	stream.indirect.gather @!p0 [hbm4b:s2+s1], $0x80, s0, s1, $0xb8;
	[tilespmem:$0x16400] =	vst v63  }
0x47: {  	_ =	swait.ge [sflag:s20], $0x4000  }
0x48: {  	[sflag:s20] =	ssyncset.done $0x0  }
0x49: {  	s1 =	simm.s32 $0x0;
	[sflag:s20] =	ssyncadd.s32 $0xFFFFC000  }
0x4a: {  	v3 =	vld [tilespmem:s1+$0xA400]  }
0x4b: {  	v5 =	vld [tilespmem:s1+$0xA410]  }
0x4c: {  	v4 =	vld [tilespmem:s1+$0xA420]  }
0x4d: {  	v2 =	vld [tilespmem:s1+$0xA430]  }
0x4e: {  	v0 =	vld [tilespmem:s1+$0xA440]  }
0x4f: {  	v1 =	vld [tilespmem:s1+$0xA450];
	v6 =	vmul.f32 $1.131370830e+01, v3  }
0x50: {  	s30 =	simm.s32 $0x200;
	v5 =	vmul.f32 $1.131370830e+01, v5;
	v3 =	vld [tilespmem:s1+$0xA460]  }
.LBB2_5:
0x51: {  	s0 =	sshra.s32 s30, $0x2;
	p1 =	sne.s32 s30, $0xFE00;
	[tilespmem:s1+$0xA400] =	vst v6;
	v4 =	vmul.f32 $1.131370830e+01, v4;
	v6 =	vld [tilespmem:s1+$0xA470]  }
0x52: {  	v7 =	vld [tilespmem:s0+$0xA400];
	[tilespmem:s1+$0xA410] =	vst v5;
	v2 =	vmul.f32 $1.131370830e+01, v2  }
0x53: {  	v5 =	vld [tilespmem:s0+$0xA410];
	[tilespmem:s1+$0xA420] =	vst v4;
	v0 =	vmul.f32 $1.131370830e+01, v0  }
.Ltmp3:
0x54: {  	v4 =	vld [tilespmem:s0+$0xA420];
	[tilespmem:s1+$0xA430] =	vst v2;
	v1 =	vmul.f32 $1.131370830e+01, v1;
	(pc) =	sbr.rel @p1 .LBB2_5-.Ltmp3, $4  }
0x55: {  	v2 =	vld [tilespmem:s0+$0xA430];
	[tilespmem:s1+$0xA440] =	vst v0;
	v3 =	vmul.f32 $1.131370830e+01, v3  }
0x56: {  	v0 =	vld [tilespmem:s0+$0xA440];
	[tilespmem:s1+$0xA450] =	vst v1;
	v8 =	vmul.f32 $1.131370830e+01, v6  }
0x57: {  	v6 =	vmul.f32 $1.131370830e+01, v7;
	v1 =	vld [tilespmem:s0+$0xA450];
	[tilespmem:s1+$0xA460] =	vst v3  }
0x58: {  	s30 =	sadd.s32 $0x200, s30;
	v5 =	vmul.f32 $1.131370830e+01, v5;
	v3 =	vld [tilespmem:s0+$0xA460];
	[tilespmem:s1+$0xA470] =	vst v8;
	s1 =	smov.u32 s0  }
0x59: {  	[tilespmem:s1+$0xA400] =	vst v6;
	v4 =	vmul.f32 $1.131370830e+01, v4;
	v6 =	vld [tilespmem:s1+$0xA470]  }
0x5a: {  	[tilespmem:s1+$0xA410] =	vst v5;
	v2 =	vmul.f32 $1.131370830e+01, v2  }
0x5b: {  	[tilespmem:s1+$0xA420] =	vst v4;
	v0 =	vmul.f32 $1.131370830e+01, v0  }
0x5c: {  	[tilespmem:s1+$0xA430] =	vst v2;
	v1 =	vmul.f32 $1.131370830e+01, v1  }
0x5d: {  	s30 =	sshll.u32 s29, $0x9;
	[tilespmem:s1+$0xA440] =	vst v0;
	v0 =	vmul.f32 $1.131370830e+01, v3  }
0x5e: {  	s0 =	sadd.s32 s30, s7;
	[tilespmem:s1+$0xA450] =	vst v1;
	v1 =	vmul.f32 $1.131370830e+01, v6  }
0x5f: {  	s0 =	sshll.u32 s0, $0x4;
	[tilespmem:s1+$0xA460] =	vst v0  }
0x60: {  	s0 =	sadd.s32 s3, s0;
	[tilespmem:s1+$0xA470] =	vst v1  }
0x61: {  	[hbm4b:s0+s4] =	stream.linear.scatter [tilespmem:s14], [sflag:$0x6], $0x4000, $0x38;
	[tilespmem:$0x16400] =	vst v63  }
0x62: {  	s0 =	simm.s32 @!p0 $0x6  }
0x63: {  	_ =	swait.ge @!p0 [sflag:s0], $0x4000  }
0x64: {  	s15 =	simm.s32 @!p0 $0xA400;
	[sflag:s0] =	ssyncset.done @!p0 $0x0  }
0x65: {  	s1 =	simm.s32 @!p0 $0x80;
	[sflag:s0] =	ssyncadd.s32 @!p0 $0xFFFFC000;
	s0 =	sadd.s32 @!p0 $0x280, s31  }
0x66: {  	[tilespmem:s15], [sflag:$0x2] =	stream.indirect.gather @!p0 [hbm4b:s2+s1], $0x80, s0, s1, $0xb8;
	[tilespmem:$0x16400] =	vst v63  }
0x67: {  	_ =	swait.ge [sflag:s21], $0x4000  }
0x68: {  	[sflag:s21] =	ssyncset.done $0x0  }
0x69: {  	s1 =	simm.s32 $0x0;
	[sflag:s21] =	ssyncadd.s32 $0xFFFFC000  }
0x6a: {  	v3 =	vld [tilespmem:s1+$0xE400]  }
0x6b: {  	v5 =	vld [tilespmem:s1+$0xE410]  }
0x6c: {  	v4 =	vld [tilespmem:s1+$0xE420]  }
0x6d: {  	v2 =	vld [tilespmem:s1+$0xE430]  }
0x6e: {  	v0 =	vld [tilespmem:s1+$0xE440]  }
0x6f: {  	v1 =	vld [tilespmem:s1+$0xE450];
	v6 =	vmul.f32 $1.131370830e+01, v3  }
0x70: {  	s0 =	simm.s32 $0x200;
	v5 =	vmul.f32 $1.131370830e+01, v5;
	v3 =	vld [tilespmem:s1+$0xE460]  }
.LBB2_7:
0x71: {  	s15 =	sshra.s32 s0, $0x2;
	p1 =	sne.s32 s0, $0xFE00;
	[tilespmem:s1+$0xE400] =	vst v6;
	v4 =	vmul.f32 $1.131370830e+01, v4;
	v6 =	vld [tilespmem:s1+$0xE470]  }
0x72: {  	v7 =	vld [tilespmem:s15+$0xE400];
	[tilespmem:s1+$0xE410] =	vst v5;
	v2 =	vmul.f32 $1.131370830e+01, v2  }
0x73: {  	v5 =	vld [tilespmem:s15+$0xE410];
	[tilespmem:s1+$0xE420] =	vst v4;
	v0 =	vmul.f32 $1.131370830e+01, v0  }
.Ltmp4:
0x74: {  	v4 =	vld [tilespmem:s15+$0xE420];
	[tilespmem:s1+$0xE430] =	vst v2;
	v1 =	vmul.f32 $1.131370830e+01, v1;
	(pc) =	sbr.rel @p1 .LBB2_7-.Ltmp4, $4  }
0x75: {  	v2 =	vld [tilespmem:s15+$0xE430];
	[tilespmem:s1+$0xE440] =	vst v0;
	v3 =	vmul.f32 $1.131370830e+01, v3  }
0x76: {  	v0 =	vld [tilespmem:s15+$0xE440];
	[tilespmem:s1+$0xE450] =	vst v1;
	v8 =	vmul.f32 $1.131370830e+01, v6  }
0x77: {  	v6 =	vmul.f32 $1.131370830e+01, v7;
	v1 =	vld [tilespmem:s15+$0xE450];
	[tilespmem:s1+$0xE460] =	vst v3  }
0x78: {  	s0 =	sadd.s32 $0x200, s0;
	v5 =	vmul.f32 $1.131370830e+01, v5;
	v3 =	vld [tilespmem:s15+$0xE460];
	[tilespmem:s1+$0xE470] =	vst v8;
	s1 =	smov.u32 s15  }
0x79: {  	[tilespmem:s1+$0xE400] =	vst v6;
	v4 =	vmul.f32 $1.131370830e+01, v4;
	v6 =	vld [tilespmem:s1+$0xE470]  }
0x7a: {  	[tilespmem:s1+$0xE410] =	vst v5;
	v2 =	vmul.f32 $1.131370830e+01, v2  }
0x7b: {  	[tilespmem:s1+$0xE420] =	vst v4;
	v0 =	vmul.f32 $1.131370830e+01, v0  }
0x7c: {  	[tilespmem:s1+$0xE430] =	vst v2;
	v1 =	vmul.f32 $1.131370830e+01, v1  }
0x7d: {  	[tilespmem:s1+$0xE440] =	vst v0;
	v0 =	vmul.f32 $1.131370830e+01, v3  }
0x7e: {  	s0 =	sadd.s32 s30, s8;
	[tilespmem:s1+$0xE450] =	vst v1;
	v1 =	vmul.f32 $1.131370830e+01, v6  }
0x7f: {  	s0 =	sshll.u32 s0, $0x4;
	[tilespmem:s1+$0xE460] =	vst v0  }
0x80: {  	s0 =	sadd.s32 s3, s0;
	[tilespmem:s1+$0xE470] =	vst v1  }
0x81: {  	[hbm4b:s0+s4] =	stream.linear.scatter [tilespmem:s16], [sflag:$0x7], $0x4000, $0x38;
	[tilespmem:$0x16400] =	vst v63  }
0x82: {  	s0 =	simm.s32 @!p0 $0x7  }
0x83: {  	_ =	swait.ge @!p0 [sflag:s0], $0x4000  }
0x84: {  	s15 =	simm.s32 @!p0 $0xE400;
	[sflag:s0] =	ssyncset.done @!p0 $0x0  }
0x85: {  	s1 =	simm.s32 @!p0 $0x80;
	[sflag:s0] =	ssyncadd.s32 @!p0 $0xFFFFC000;
	s0 =	sadd.s32 @!p0 $0x300, s31  }
0x86: {  	[tilespmem:s15], [sflag:$0x3] =	stream.indirect.gather @!p0 [hbm4b:s2+s1], $0x80, s0, s1, $0xb8;
	[tilespmem:$0x16400] =	vst v63  }
0x87: {  	_ =	swait.ge [sflag:s22], $0x4000  }
0x88: {  	[sflag:s22] =	ssyncset.done $0x0  }
0x89: {  	s1 =	simm.s32 $0x0;
	[sflag:s22] =	ssyncadd.s32 $0xFFFFC000  }
0x8a: {  	v3 =	vld [tilespmem:s1+$0x12400]  }
0x8b: {  	v5 =	vld [tilespmem:s1+$0x12410]  }
0x8c: {  	v4 =	vld [tilespmem:s1+$0x12420]  }
0x8d: {  	v2 =	vld [tilespmem:s1+$0x12430]  }
0x8e: {  	v0 =	vld [tilespmem:s1+$0x12440]  }
0x8f: {  	v1 =	vld [tilespmem:s1+$0x12450];
	v6 =	vmul.f32 $1.131370830e+01, v3  }
0x90: {  	s0 =	simm.s32 $0x200;
	v5 =	vmul.f32 $1.131370830e+01, v5;
	v3 =	vld [tilespmem:s1+$0x12460]  }
.LBB2_9:
0x91: {  	s15 =	sshra.s32 s0, $0x2;
	p1 =	sne.s32 s0, $0xFE00;
	[tilespmem:s1+$0x12400] =	vst v6;
	v4 =	vmul.f32 $1.131370830e+01, v4;
	v6 =	vld [tilespmem:s1+$0x12470]  }
0x92: {  	v7 =	vld [tilespmem:s15+$0x12400];
	[tilespmem:s1+$0x12410] =	vst v5;
	v2 =	vmul.f32 $1.131370830e+01, v2  }
0x93: {  	v5 =	vld [tilespmem:s15+$0x12410];
	[tilespmem:s1+$0x12420] =	vst v4;
	v0 =	vmul.f32 $1.131370830e+01, v0  }
.Ltmp5:
0x94: {  	v4 =	vld [tilespmem:s15+$0x12420];
	[tilespmem:s1+$0x12430] =	vst v2;
	v1 =	vmul.f32 $1.131370830e+01, v1;
	(pc) =	sbr.rel @p1 .LBB2_9-.Ltmp5, $4  }
0x95: {  	v2 =	vld [tilespmem:s15+$0x12430];
	[tilespmem:s1+$0x12440] =	vst v0;
	v3 =	vmul.f32 $1.131370830e+01, v3  }
0x96: {  	v0 =	vld [tilespmem:s15+$0x12440];
	[tilespmem:s1+$0x12450] =	vst v1;
	v8 =	vmul.f32 $1.131370830e+01, v6  }
0x97: {  	v6 =	vmul.f32 $1.131370830e+01, v7;
	v1 =	vld [tilespmem:s15+$0x12450];
	[tilespmem:s1+$0x12460] =	vst v3  }
0x98: {  	s0 =	sadd.s32 $0x200, s0;
	v5 =	vmul.f32 $1.131370830e+01, v5;
	v3 =	vld [tilespmem:s15+$0x12460];
	[tilespmem:s1+$0x12470] =	vst v8;
	s1 =	smov.u32 s15  }
0x99: {  	[tilespmem:s1+$0x12400] =	vst v6;
	v4 =	vmul.f32 $1.131370830e+01, v4;
	v61 =	vld [tilespmem:s1+$0x12470]  }
0x9a: {  	[tilespmem:s1+$0x12410] =	vst v5;
	v2 =	vmul.f32 $1.131370830e+01, v2  }
0x9b: {  	[tilespmem:s1+$0x12420] =	vst v4;
	v0 =	vmul.f32 $1.131370830e+01, v0  }
0x9c: {  	[tilespmem:s1+$0x12430] =	vst v2;
	v1 =	vmul.f32 $1.131370830e+01, v1  }
.Ltmp6:
0x9d: {  	[tilespmem:s1+$0x12440] =	vst v0;
	v62 =	vmul.f32 $1.131370830e+01, v3;
	(pc) =	sbr.rel @p0 .LBB2_12-.Ltmp6, $4  }
0x9e: {  	s0 =	sadd.s32 s30, s9;
	[tilespmem:s1+$0x12450] =	vst v1;
	v63 =	vmul.f32 $1.131370830e+01, v61  }
0x9f: {  	s0 =	sshll.u32 s0, $0x4;
	[tilespmem:s1+$0x12460] =	vst v62  }
0xa0: {  	s0 =	sadd.s32 s3, s0;
	[tilespmem:s1+$0x12470] =	vst v63  }
0xa1: {  	[hbm4b:s0+s4] =	stream.linear.scatter [tilespmem:s18], [sflag:$0x8], $0x4000, $0x38;
	[tilespmem:$0x16400] =	vst v63  }
.Ltmp7:
0xa2: {  	(pc) =	sbr.rel .LBB2_2-.Ltmp7, $4  }
0xa3: {  	_ =	swait.ge [sflag:s26], $0x4000  }
0xa4: {  	s0 =	sand.u32 $0x3FFFFE00, s30;
	[sflag:s26] =	ssyncset.done $0x0  }
0xa5: {  	s29 =	sadd.s32 $0x1, s29;
	s0 =	sadd.s32 $0x380, s0;
	[sflag:s26] =	ssyncadd.s32 $0xFFFFC000  }
0xa6: {  	[tilespmem:s18], [sflag:$0x4] =	stream.indirect.gather [hbm4b:s2+s12], $0x80, s0, s12, $0xb8;
	[tilespmem:$0x16400] =	vst v63  }
.LBB2_13:
0xa7: {  	_ =	sfence.sel $0x180000  }
0xa8: {  	[bflag:$0x0] =	sbarrier.arrive $0xFFFF  }
0xa9: {  	_ =	strace $0x90000047  }
0xaa: {  	s0 =	stileid.u32;
	[bflag:$0x2] =	sbarrier.arrive $0xFFFF  }
0xab: {  	p0 =	sne.s32 s0, $0x0;
	s0 =	rddreg [dreg:$0x3]  }
0xac: {  	s0 =	sadd.s32 @!p0 $0x100000, s0  }
0xad: {  	[sflag:s0] =	ssyncadd.tile.s32 @!p0 $0x1;
	_ =	shalt  }
.Lfunc_end2:
_tile_overlayer_lowered:
.L_overlay_start_2:
0xae: {  	(tag) =	ssettag $0x2  }
0xaf: {  	s0 =	rddreg [dreg:$0x0];
	s2 =	stileid.u32  }
0xb0: {  	s1 =	rddreg [dreg:$0x1];
	p0 =	sne.s32 s2, $0x0  }
0xb1: {  	s3 =	rddreg [dreg:$0x2];
	[bflag:$0x3] =	sbarrier.arrive $0xFFFF;
	s2 =	simm.s32 @!p0 $0x1C09  }
0xb2: {  	[timem:s3], [sflag:s2] =	dma.local @!p0 [hbm:s0], s1  }
0xb3: {  	s0 =	simm.s32 @!p0 $0x9  }
0xb4: {  	_ =	swait.ge @!p0 [sflag:s0], s1  }
0xb5: {  	s1 =	ssub.s32 @!p0 $0x0, s1;
	[sflag:s0] =	ssyncset.done @!p0 $0x0  }
0xb6: {  	[sflag:s0] =	ssyncadd.s32 @!p0 s1  }
0xb7: {  	[bflag:$0x3] =	sbarrier.arrive $0xFFFF  }
0xb8: {  	_ =	shalt  }

</sc_bundles>
